<compile_context>
chip_gen: v7x
topology: tpu7x:2x2x1
jax: 0.10.2.dev20260603
libtpu: 0.0.44.dev20260713+nightly
codegen_flags: <defaults>
</compile_context>

<pallas_src>
import jax
import jax.numpy as jnp
from jax import lax
from jax.experimental import pallas as pl
from jax.experimental.pallas import tpu as pltpu
from jax.experimental.pallas import tpu_sc as plsc

V = 1_000_000
K = 32
B = 16384
F = 26
L = 16
NC = 2
NS = 16
NW = NC * NS
IPW = B // NW
CHUNK = 32
NCH = IPW // CHUNK
IDXC = CHUNK * F
HALF = IDXC // 2


def _body(emb4_hbm, xf4_hbm, biasf_hbm, out_hbm,
          idx_v, blk0_v, blk1_v, bias_v, logit_v, sem, sem2, sem3):
    wid = lax.axis_index("s") * NC + lax.axis_index("c")
    for c in range(NCH):
        xoff = wid * (IPW * F) + c * IDXC
        pltpu.sync_copy(xf4_hbm.at[pl.ds(xoff, IDXC)], idx_v)
        a = pltpu.async_copy(
            emb4_hbm.at[idx_v.at[pl.ds(0, HALF)]], blk0_v, sem)
        b = pltpu.async_copy(
            emb4_hbm.at[idx_v.at[pl.ds(HALF, HALF)]], blk1_v, sem2)
        bc = pltpu.async_copy(biasf_hbm.at[idx_v], bias_v, sem3)
        a.wait()
        b.wait()
        bc.wait()
    pltpu.sync_copy(logit_v, out_hbm.at[pl.ds(wid * IPW, IPW)])


@jax.jit
def _call(xf4, emb4, biasf):
    mesh = plsc.VectorSubcoreMesh(core_axis_name="c", subcore_axis_name="s")
    fn = pl.kernel(
        _body,
        out_type=jax.ShapeDtypeStruct((B,), jnp.float32),
        mesh=mesh,
        scratch_types=[
            pltpu.VMEM((IDXC,), jnp.int32),
            pltpu.VMEM((HALF, 128), jnp.float32),
            pltpu.VMEM((HALF, 128), jnp.float32),
            pltpu.VMEM((IDXC,), jnp.float32),
            pltpu.VMEM((IPW,), jnp.float32),
            pltpu.SemaphoreType.DMA,
            pltpu.SemaphoreType.DMA,
            pltpu.SemaphoreType.DMA,
        ],
        compiler_params=pltpu.CompilerParams(
            needs_layout_passes=False, use_tc_tiling_on_sc=True),
    )
    return fn(emb4, xf4, biasf)


def kernel(X, emb_table, bias_table, w0):
    xf4 = (X.reshape(-1) >> 2).astype(jnp.int32)
    emb4 = emb_table.reshape(V // 4, 128)
    biasf = bias_table.reshape(-1)
    return _call(xf4, emb4, biasf)

# --- scband reference (transcript-rebuilt; emitter-appended) ---
"""Pipeline reference for scband-fmmodel-1185410974000 (READ-ONLY COPY).

The authoritative reference and input builder live on the scoring server;
editing this copy changes nothing except your own understanding.
"""

import jax, jax.numpy as jnp
import numpy as np

N_VOCAB = 1000000
K_DIM = 32
BATCH = 16384
FIELDS = 26

def setup_inputs(seed: int = 0) -> dict:
    key = jax.random.key(seed)
    k1, k2, k3 = jax.random.split(key, 3)
    X = jax.random.randint(k1, (BATCH, FIELDS), 0, N_VOCAB, dtype=jnp.int64 if jax.config.jax_enable_x64 else jnp.int32)
    # trunc_normal_ approx: normal(std=0.01) with fmod(2) (values tiny so fmod is identity-like)
    emb_table = (jax.random.normal(k2, (N_VOCAB, K_DIM), dtype=jnp.float32) % 2.0) * 0.01
    bias_table = (jax.random.normal(k3, (N_VOCAB, 1), dtype=jnp.float32) % 2.0) * 0.01
    w0 = jnp.zeros((1,), dtype=jnp.float32)
    return {"X": X, "emb_table": emb_table, "bias_table": bias_table, "w0": w0}

def reference(X, emb_table, bias_table, w0):
    emb = jnp.take(emb_table, X, axis=0)              # [B, F, k]
    pow_of_sum = jnp.sum(emb, axis=1) ** 2            # [B, k]
    sum_of_pow = jnp.sum(emb ** 2, axis=1)            # [B, k]
    pairwise = jnp.sum(pow_of_sum - sum_of_pow, axis=1) * 0.5  # [B]
    bias = jnp.take(bias_table, X, axis=0)            # [B, F, 1]
    bias = jnp.sum(jnp.squeeze(bias, axis=-1), axis=1)  # [B]
    return jax.nn.sigmoid(w0 + bias + pairwise) * 5.5   # [B]

if __name__ == "__main__":
    import jax
    _d = setup_inputs()
    print(jax.jit(kernel)(*tuple(_d.values())))

</pallas_src>

<mosaic_0001>
#map = affine_map<(d0, d1) -> (0, 0)>
#map1 = affine_map<(d0, d1) -> (0)>
module attributes {stable_mosaic.version = 14 : i64} {
  func.func @_body(%arg0: i32, %arg1: i32, %arg2: memref<250000x128xf32, #tpu.memory_space<hbm>>, %arg3: memref<425984xi32, #tpu.memory_space<hbm>>, %arg4: memref<1000000xf32, #tpu.memory_space<hbm>>, %arg5: memref<16384xf32, #tpu.memory_space<hbm>>, %arg6: memref<832xi32, #tpu.memory_space<vmem>>, %arg7: memref<416x128xf32, #tpu.memory_space<vmem>>, %arg8: memref<416x128xf32, #tpu.memory_space<vmem>>, %arg9: memref<832xf32, #tpu.memory_space<vmem>>, %arg10: memref<512xf32, #tpu.memory_space<vmem>>, %arg11: memref<!tpu.dma_semaphore, #tpu.memory_space<semaphore_mem>>, %arg12: memref<!tpu.dma_semaphore, #tpu.memory_space<semaphore_mem>>, %arg13: memref<!tpu.dma_semaphore, #tpu.memory_space<semaphore_mem>>) attributes {dimension_semantics = [#tpu.dimension_semantics<core_parallel>, #tpu.dimension_semantics<subcore_parallel>], iteration_bounds = array<i64: 2, 16>, scalar_prefetch = 0 : i64, scratch_operands = 8 : i64, tpu.core_type = #tpu.core_type<sc_vector_subcore>, window_params = [{transform_indices = #map}, {transform_indices = #map1}, {transform_indices = #map1}, {transform_indices = #map1}]} {
    %mul3A = arith.constant 2 : i32
    %mul3A_0 = arith.muli %arg1, %mul3A : i32
    %add3A = arith.addi %mul3A_0, %arg0 : i32
    %mul3A_1 = arith.constant 13312 : i32
    %mul3A_2 = arith.muli %add3A, %mul3A_1 : i32
    %add3A_3 = arith.constant 0 : i32
    %add3A_4 = arith.addi %mul3A_2, %add3A_3 : i32
    "tpu.region"() ({
      %run_scoped3A = tpu.sem_alloc : memref<!tpu.dma_semaphore, #tpu.memory_space<semaphore_mem>>
      %dma_start3A_449 = tpu.memref_slice %arg3[%add3A_4] : memref<425984xi32, #tpu.memory_space<hbm>> -> memref<832xi32, #tpu.memory_space<hbm>>
      %dma_start3A_450 = tpu.memref_slice %arg3[%add3A_4] : memref<425984xi32, #tpu.memory_space<hbm>> -> memref<832xi32, #tpu.memory_space<hbm>>
      tpu.enqueue_dma source(%dma_start3A_450 : memref<832xi32, #tpu.memory_space<hbm>>) target(%arg6 : memref<832xi32, #tpu.memory_space<vmem>>) target_semaphore(%run_scoped3A : memref<!tpu.dma_semaphore, #tpu.memory_space<semaphore_mem>>)
      %dma_wait3A_451 = tpu.memref_slice %arg3[%add3A_4] : memref<425984xi32, #tpu.memory_space<hbm>> -> memref<832xi32, #tpu.memory_space<hbm>>
      %dma_wait3A_452 = tpu.memref_slice %arg3[%add3A_4] : memref<425984xi32, #tpu.memory_space<hbm>> -> memref<832xi32, #tpu.memory_space<hbm>>
      tpu.wait_dma2 semaphore(%run_scoped3A : memref<!tpu.dma_semaphore, #tpu.memory_space<semaphore_mem>>) src(%dma_wait3A_452 : memref<832xi32, #tpu.memory_space<hbm>>) dst(%arg6 : memref<832xi32, #tpu.memory_space<vmem>>)
      tpu.yield
    }) : () -> ()
    %dma_start3A = arith.constant 0 : i32
    %dma_start3A_5 = tpu.memref_slice %arg6[%dma_start3A] : memref<832xi32, #tpu.memory_space<vmem>> -> memref<416xi32, #tpu.memory_space<vmem>>
    %dma_start3A_6 = arith.constant 0 : i32
    %dma_start3A_7 = arith.constant 0 : i32
    %dma_start3A_8 = tpu.memref_slice %arg2[%dma_start3A_6, %dma_start3A_7] : memref<250000x128xf32, #tpu.memory_space<hbm>> -> memref<250000x128xf32, #tpu.memory_space<hbm>>
    tpu.enqueue_indirect_dma source(%dma_start3A_8 : memref<250000x128xf32, #tpu.memory_space<hbm>>) target(%arg7 : memref<416x128xf32, #tpu.memory_space<vmem>>) offsets(%dma_start3A_5 : memref<416xi32, #tpu.memory_space<vmem>>) semaphore(%arg11 : memref<!tpu.dma_semaphore, #tpu.memory_space<semaphore_mem>>)
    %dma_start3A_9 = arith.constant 416 : i32
    %dma_start3A_10 = tpu.memref_slice %arg6[%dma_start3A_9] : memref<832xi32, #tpu.memory_space<vmem>> -> memref<416xi32, #tpu.memory_space<vmem>>
    %dma_start3A_11 = arith.constant 0 : i32
    %dma_start3A_12 = arith.constant 0 : i32
    %dma_start3A_13 = tpu.memref_slice %arg2[%dma_start3A_11, %dma_start3A_12] : memref<250000x128xf32, #tpu.memory_space<hbm>> -> memref<250000x128xf32, #tpu.memory_space<hbm>>
    tpu.enqueue_indirect_dma source(%dma_start3A_13 : memref<250000x128xf32, #tpu.memory_space<hbm>>) target(%arg8 : memref<416x128xf32, #tpu.memory_space<vmem>>) offsets(%dma_start3A_10 : memref<416xi32, #tpu.memory_space<vmem>>) semaphore(%arg12 : memref<!tpu.dma_semaphore, #tpu.memory_space<semaphore_mem>>)
    %dma_start3A_14 = arith.constant 0 : i32
    %dma_start3A_15 = tpu.memref_slice %arg4[%dma_start3A_14] : memref<1000000xf32, #tpu.memory_space<hbm>> -> memref<1000000xf32, #tpu.memory_space<hbm>>
    tpu.enqueue_indirect_dma source(%dma_start3A_15 : memref<1000000xf32, #tpu.memory_space<hbm>>) target(%arg9 : memref<832xf32, #tpu.memory_space<vmem>>) offsets(%arg6 : memref<832xi32, #tpu.memory_space<vmem>>) semaphore(%arg13 : memref<!tpu.dma_semaphore, #tpu.memory_space<semaphore_mem>>)
    %dma_wait3A = arith.constant 0 : i32
    %dma_wait3A_16 = tpu.memref_slice %arg6[%dma_wait3A] : memref<832xi32, #tpu.memory_space<vmem>> -> memref<416xi32, #tpu.memory_space<vmem>>
    %dma_wait3A_17 = arith.constant 0 : i32
    %dma_wait3A_18 = arith.constant 0 : i32
    %dma_wait3A_19 = tpu.memref_slice %arg2[%dma_wait3A_17, %dma_wait3A_18] : memref<250000x128xf32, #tpu.memory_space<hbm>> -> memref<250000x128xf32, #tpu.memory_space<hbm>>
    tpu.wait_indirect_dma semaphore(%arg11 : memref<!tpu.dma_semaphore, #tpu.memory_space<semaphore_mem>>) src(%dma_wait3A_19 : memref<250000x128xf32, #tpu.memory_space<hbm>>) dst(%arg7 : memref<416x128xf32, #tpu.memory_space<vmem>>)
    %dma_wait3A_20 = arith.constant 416 : i32
    %dma_wait3A_21 = tpu.memref_slice %arg6[%dma_wait3A_20] : memref<832xi32, #tpu.memory_space<vmem>> -> memref<416xi32, #tpu.memory_space<vmem>>
    %dma_wait3A_22 = arith.constant 0 : i32
    %dma_wait3A_23 = arith.constant 0 : i32
    %dma_wait3A_24 = tpu.memref_slice %arg2[%dma_wait3A_22, %dma_wait3A_23] : memref<250000x128xf32, #tpu.memory_space<hbm>> -> memref<250000x128xf32, #tpu.memory_space<hbm>>
    tpu.wait_indirect_dma semaphore(%arg12 : memref<!tpu.dma_semaphore, #tpu.memory_space<semaphore_mem>>) src(%dma_wait3A_24 : memref<250000x128xf32, #tpu.memory_space<hbm>>) dst(%arg8 : memref<416x128xf32, #tpu.memory_space<vmem>>)
    %dma_wait3A_25 = arith.constant 0 : i32
    %dma_wait3A_26 = tpu.memref_slice %arg4[%dma_wait3A_25] : memref<1000000xf32, #tpu.memory_space<hbm>> -> memref<1000000xf32, #tpu.memory_space<hbm>>
    tpu.wait_indirect_dma semaphore(%arg13 : memref<!tpu.dma_semaphore, #tpu.memory_space<semaphore_mem>>) src(%dma_wait3A_26 : memref<1000000xf32, #tpu.memory_space<hbm>>) dst(%arg9 : memref<832xf32, #tpu.memory_space<vmem>>)
    %mul3A_27 = arith.constant 13312 : i32
    %mul3A_28 = arith.muli %add3A, %mul3A_27 : i32
    %add3A_29 = arith.constant 832 : i32
    %add3A_30 = arith.addi %mul3A_28, %add3A_29 : i32
    "tpu.region"() ({
      %run_scoped3A = tpu.sem_alloc : memref<!tpu.dma_semaphore, #tpu.memory_space<semaphore_mem>>
      %dma_start3A_449 = tpu.memref_slice %arg3[%add3A_30] : memref<425984xi32, #tpu.memory_space<hbm>> -> memref<832xi32, #tpu.memory_space<hbm>>
      %dma_start3A_450 = tpu.memref_slice %arg3[%add3A_30] : memref<425984xi32, #tpu.memory_space<hbm>> -> memref<832xi32, #tpu.memory_space<hbm>>
      tpu.enqueue_dma source(%dma_start3A_450 : memref<832xi32, #tpu.memory_space<hbm>>) target(%arg6 : memref<832xi32, #tpu.memory_space<vmem>>) target_semaphore(%run_scoped3A : memref<!tpu.dma_semaphore, #tpu.memory_space<semaphore_mem>>)
      %dma_wait3A_451 = tpu.memref_slice %arg3[%add3A_30] : memref<425984xi32, #tpu.memory_space<hbm>> -> memref<832xi32, #tpu.memory_space<hbm>>
      %dma_wait3A_452 = tpu.memref_slice %arg3[%add3A_30] : memref<425984xi32, #tpu.memory_space<hbm>> -> memref<832xi32, #tpu.memory_space<hbm>>
      tpu.wait_dma2 semaphore(%run_scoped3A : memref<!tpu.dma_semaphore, #tpu.memory_space<semaphore_mem>>) src(%dma_wait3A_452 : memref<832xi32, #tpu.memory_space<hbm>>) dst(%arg6 : memref<832xi32, #tpu.memory_space<vmem>>)
      tpu.yield
    }) : () -> ()
    %dma_start3A_31 = arith.constant 0 : i32
    %dma_start3A_32 = tpu.memref_slice %arg6[%dma_start3A_31] : memref<832xi32, #tpu.memory_space<vmem>> -> memref<416xi32, #tpu.memory_space<vmem>>
    %dma_start3A_33 = arith.constant 0 : i32
    %dma_start3A_34 = arith.constant 0 : i32
    %dma_start3A_35 = tpu.memref_slice %arg2[%dma_start3A_33, %dma_start3A_34] : memref<250000x128xf32, #tpu.memory_space<hbm>> -> memref<250000x128xf32, #tpu.memory_space<hbm>>
    tpu.enqueue_indirect_dma source(%dma_start3A_35 : memref<250000x128xf32, #tpu.memory_space<hbm>>) target(%arg7 : memref<416x128xf32, #tpu.memory_space<vmem>>) offsets(%dma_start3A_32 : memref<416xi32, #tpu.memory_space<vmem>>) semaphore(%arg11 : memref<!tpu.dma_semaphore, #tpu.memory_space<semaphore_mem>>)
    %dma_start3A_36 = arith.constant 416 : i32
    %dma_start3A_37 = tpu.memref_slice %arg6[%dma_start3A_36] : memref<832xi32, #tpu.memory_space<vmem>> -> memref<416xi32, #tpu.memory_space<vmem>>
    %dma_start3A_38 = arith.constant 0 : i32
    %dma_start3A_39 = arith.constant 0 : i32
    %dma_start3A_40 = tpu.memref_slice %arg2[%dma_start3A_38, %dma_start3A_39] : memref<250000x128xf32, #tpu.memory_space<hbm>> -> memref<250000x128xf32, #tpu.memory_space<hbm>>
    tpu.enqueue_indirect_dma source(%dma_start3A_40 : memref<250000x128xf32, #tpu.memory_space<hbm>>) target(%arg8 : memref<416x128xf32, #tpu.memory_space<vmem>>) offsets(%dma_start3A_37 : memref<416xi32, #tpu.memory_space<vmem>>) semaphore(%arg12 : memref<!tpu.dma_semaphore, #tpu.memory_space<semaphore_mem>>)
    %dma_start3A_41 = arith.constant 0 : i32
    %dma_start3A_42 = tpu.memref_slice %arg4[%dma_start3A_41] : memref<1000000xf32, #tpu.memory_space<hbm>> -> memref<1000000xf32, #tpu.memory_space<hbm>>
    tpu.enqueue_indirect_dma source(%dma_start3A_42 : memref<1000000xf32, #tpu.memory_space<hbm>>) target(%arg9 : memref<832xf32, #tpu.memory_space<vmem>>) offsets(%arg6 : memref<832xi32, #tpu.memory_space<vmem>>) semaphore(%arg13 : memref<!tpu.dma_semaphore, #tpu.memory_space<semaphore_mem>>)
    %dma_wait3A_43 = arith.constant 0 : i32
    %dma_wait3A_44 = tpu.memref_slice %arg6[%dma_wait3A_43] : memref<832xi32, #tpu.memory_space<vmem>> -> memref<416xi32, #tpu.memory_space<vmem>>
    %dma_wait3A_45 = arith.constant 0 : i32
    %dma_wait3A_46 = arith.constant 0 : i32
    %dma_wait3A_47 = tpu.memref_slice %arg2[%dma_wait3A_45, %dma_wait3A_46] : memref<250000x128xf32, #tpu.memory_space<hbm>> -> memref<250000x128xf32, #tpu.memory_space<hbm>>
    tpu.wait_indirect_dma semaphore(%arg11 : memref<!tpu.dma_semaphore, #tpu.memory_space<semaphore_mem>>) src(%dma_wait3A_47 : memref<250000x128xf32, #tpu.memory_space<hbm>>) dst(%arg7 : memref<416x128xf32, #tpu.memory_space<vmem>>)
    %dma_wait3A_48 = arith.constant 416 : i32
    %dma_wait3A_49 = tpu.memref_slice %arg6[%dma_wait3A_48] : memref<832xi32, #tpu.memory_space<vmem>> -> memref<416xi32, #tpu.memory_space<vmem>>
    %dma_wait3A_50 = arith.constant 0 : i32
    %dma_wait3A_51 = arith.constant 0 : i32
    %dma_wait3A_52 = tpu.memref_slice %arg2[%dma_wait3A_50, %dma_wait3A_51] : memref<250000x128xf32, #tpu.memory_space<hbm>> -> memref<250000x128xf32, #tpu.memory_space<hbm>>
    tpu.wait_indirect_dma semaphore(%arg12 : memref<!tpu.dma_semaphore, #tpu.memory_space<semaphore_mem>>) src(%dma_wait3A_52 : memref<250000x128xf32, #tpu.memory_space<hbm>>) dst(%arg8 : memref<416x128xf32, #tpu.memory_space<vmem>>)
    %dma_wait3A_53 = arith.constant 0 : i32
    %dma_wait3A_54 = tpu.memref_slice %arg4[%dma_wait3A_53] : memref<1000000xf32, #tpu.memory_space<hbm>> -> memref<1000000xf32, #tpu.memory_space<hbm>>
    tpu.wait_indirect_dma semaphore(%arg13 : memref<!tpu.dma_semaphore, #tpu.memory_space<semaphore_mem>>) src(%dma_wait3A_54 : memref<1000000xf32, #tpu.memory_space<hbm>>) dst(%arg9 : memref<832xf32, #tpu.memory_space<vmem>>)
    %mul3A_55 = arith.constant 13312 : i32
    %mul3A_56 = arith.muli %add3A, %mul3A_55 : i32
    %add3A_57 = arith.constant 1664 : i32
    %add3A_58 = arith.addi %mul3A_56, %add3A_57 : i32
    "tpu.region"() ({
      %run_scoped3A = tpu.sem_alloc : memref<!tpu.dma_semaphore, #tpu.memory_space<semaphore_mem>>
      %dma_start3A_449 = tpu.memref_slice %arg3[%add3A_58] : memref<425984xi32, #tpu.memory_space<hbm>> -> memref<832xi32, #tpu.memory_space<hbm>>
      %dma_start3A_450 = tpu.memref_slice %arg3[%add3A_58] : memref<425984xi32, #tpu.memory_space<hbm>> -> memref<832xi32, #tpu.memory_space<hbm>>
      tpu.enqueue_dma source(%dma_start3A_450 : memref<832xi32, #tpu.memory_space<hbm>>) target(%arg6 : memref<832xi32, #tpu.memory_space<vmem>>) target_semaphore(%run_scoped3A : memref<!tpu.dma_semaphore, #tpu.memory_space<semaphore_mem>>)
      %dma_wait3A_451 = tpu.memref_slice %arg3[%add3A_58] : memref<425984xi32, #tpu.memory_space<hbm>> -> memref<832xi32, #tpu.memory_space<hbm>>
      %dma_wait3A_452 = tpu.memref_slice %arg3[%add3A_58] : memref<425984xi32, #tpu.memory_space<hbm>> -> memref<832xi32, #tpu.memory_space<hbm>>
      tpu.wait_dma2 semaphore(%run_scoped3A : memref<!tpu.dma_semaphore, #tpu.memory_space<semaphore_mem>>) src(%dma_wait3A_452 : memref<832xi32, #tpu.memory_space<hbm>>) dst(%arg6 : memref<832xi32, #tpu.memory_space<vmem>>)
      tpu.yield
    }) : () -> ()
    %dma_start3A_59 = arith.constant 0 : i32
    %dma_start3A_60 = tpu.memref_slice %arg6[%dma_start3A_59] : memref<832xi32, #tpu.memory_space<vmem>> -> memref<416xi32, #tpu.memory_space<vmem>>
    %dma_start3A_61 = arith.constant 0 : i32
    %dma_start3A_62 = arith.constant 0 : i32
    %dma_start3A_63 = tpu.memref_slice %arg2[%dma_start3A_61, %dma_start3A_62] : memref<250000x128xf32, #tpu.memory_space<hbm>> -> memref<250000x128xf32, #tpu.memory_space<hbm>>
    tpu.enqueue_indirect_dma source(%dma_start3A_63 : memref<250000x128xf32, #tpu.memory_space<hbm>>) target(%arg7 : memref<416x128xf32, #tpu.memory_space<vmem>>) offsets(%dma_start3A_60 : memref<416xi32, #tpu.memory_space<vmem>>) semaphore(%arg11 : memref<!tpu.dma_semaphore, #tpu.memory_space<semaphore_mem>>)
    %dma_start3A_64 = arith.constant 416 : i32
    %dma_start3A_65 = tpu.memref_slice %arg6[%dma_start3A_64] : memref<832xi32, #tpu.memory_space<vmem>> -> memref<416xi32, #tpu.memory_space<vmem>>
    %dma_start3A_66 = arith.constant 0 : i32
    %dma_start3A_67 = arith.constant 0 : i32
    %dma_start3A_68 = tpu.memref_slice %arg2[%dma_start3A_66, %dma_start3A_67] : memref<250000x128xf32, #tpu.memory_space<hbm>> -> memref<250000x128xf32, #tpu.memory_space<hbm>>
    tpu.enqueue_indirect_dma source(%dma_start3A_68 : memref<250000x128xf32, #tpu.memory_space<hbm>>) target(%arg8 : memref<416x128xf32, #tpu.memory_space<vmem>>) offsets(%dma_start3A_65 : memref<416xi32, #tpu.memory_space<vmem>>) semaphore(%arg12 : memref<!tpu.dma_semaphore, #tpu.memory_space<semaphore_mem>>)
    %dma_start3A_69 = arith.constant 0 : i32
    %dma_start3A_70 = tpu.memref_slice %arg4[%dma_start3A_69] : memref<1000000xf32, #tpu.memory_space<hbm>> -> memref<1000000xf32, #tpu.memory_space<hbm>>
    tpu.enqueue_indirect_dma source(%dma_start3A_70 : memref<1000000xf32, #tpu.memory_space<hbm>>) target(%arg9 : memref<832xf32, #tpu.memory_space<vmem>>) offsets(%arg6 : memref<832xi32, #tpu.memory_space<vmem>>) semaphore(%arg13 : memref<!tpu.dma_semaphore, #tpu.memory_space<semaphore_mem>>)
    %dma_wait3A_71 = arith.constant 0 : i32
    %dma_wait3A_72 = tpu.memref_slice %arg6[%dma_wait3A_71] : memref<832xi32, #tpu.memory_space<vmem>> -> memref<416xi32, #tpu.memory_space<vmem>>
    %dma_wait3A_73 = arith.constant 0 : i32
    %dma_wait3A_74 = arith.constant 0 : i32
    %dma_wait3A_75 = tpu.memref_slice %arg2[%dma_wait3A_73, %dma_wait3A_74] : memref<250000x128xf32, #tpu.memory_space<hbm>> -> memref<250000x128xf32, #tpu.memory_space<hbm>>
    tpu.wait_indirect_dma semaphore(%arg11 : memref<!tpu.dma_semaphore, #tpu.memory_space<semaphore_mem>>) src(%dma_wait3A_75 : memref<250000x128xf32, #tpu.memory_space<hbm>>) dst(%arg7 : memref<416x128xf32, #tpu.memory_space<vmem>>)
    %dma_wait3A_76 = arith.constant 416 : i32
    %dma_wait3A_77 = tpu.memref_slice %arg6[%dma_wait3A_76] : memref<832xi32, #tpu.memory_space<vmem>> -> memref<416xi32, #tpu.memory_space<vmem>>
    %dma_wait3A_78 = arith.constant 0 : i32
    %dma_wait3A_79 = arith.constant 0 : i32
    %dma_wait3A_80 = tpu.memref_slice %arg2[%dma_wait3A_78, %dma_wait3A_79] : memref<250000x128xf32, #tpu.memory_space<hbm>> -> memref<250000x128xf32, #tpu.memory_space<hbm>>
    tpu.wait_indirect_dma semaphore(%arg12 : memref<!tpu.dma_semaphore, #tpu.memory_space<semaphore_mem>>) src(%dma_wait3A_80 : memref<250000x128xf32, #tpu.memory_space<hbm>>) dst(%arg8 : memref<416x128xf32, #tpu.memory_space<vmem>>)
    %dma_wait3A_81 = arith.constant 0 : i32
    %dma_wait3A_82 = tpu.memref_slice %arg4[%dma_wait3A_81] : memref<1000000xf32, #tpu.memory_space<hbm>> -> memref<1000000xf32, #tpu.memory_space<hbm>>
    tpu.wait_indirect_dma semaphore(%arg13 : memref<!tpu.dma_semaphore, #tpu.memory_space<semaphore_mem>>) src(%dma_wait3A_82 : memref<1000000xf32, #tpu.memory_space<hbm>>) dst(%arg9 : memref<832xf32, #tpu.memory_space<vmem>>)
    %mul3A_83 = arith.constant 13312 : i32
    %mul3A_84 = arith.muli %add3A, %mul3A_83 : i32
    %add3A_85 = arith.constant 2496 : i32
    %add3A_86 = arith.addi %mul3A_84, %add3A_85 : i32
    "tpu.region"() ({
      %run_scoped3A = tpu.sem_alloc : memref<!tpu.dma_semaphore, #tpu.memory_space<semaphore_mem>>
      %dma_start3A_449 = tpu.memref_slice %arg3[%add3A_86] : memref<425984xi32, #tpu.memory_space<hbm>> -> memref<832xi32, #tpu.memory_space<hbm>>
      %dma_start3A_450 = tpu.memref_slice %arg3[%add3A_86] : memref<425984xi32, #tpu.memory_space<hbm>> -> memref<832xi32, #tpu.memory_space<hbm>>
      tpu.enqueue_dma source(%dma_start3A_450 : memref<832xi32, #tpu.memory_space<hbm>>) target(%arg6 : memref<832xi32, #tpu.memory_space<vmem>>) target_semaphore(%run_scoped3A : memref<!tpu.dma_semaphore, #tpu.memory_space<semaphore_mem>>)
      %dma_wait3A_451 = tpu.memref_slice %arg3[%add3A_86] : memref<425984xi32, #tpu.memory_space<hbm>> -> memref<832xi32, #tpu.memory_space<hbm>>
      %dma_wait3A_452 = tpu.memref_slice %arg3[%add3A_86] : memref<425984xi32, #tpu.memory_space<hbm>> -> memref<832xi32, #tpu.memory_space<hbm>>
      tpu.wait_dma2 semaphore(%run_scoped3A : memref<!tpu.dma_semaphore, #tpu.memory_space<semaphore_mem>>) src(%dma_wait3A_452 : memref<832xi32, #tpu.memory_space<hbm>>) dst(%arg6 : memref<832xi32, #tpu.memory_space<vmem>>)
      tpu.yield
    }) : () -> ()
    %dma_start3A_87 = arith.constant 0 : i32
    %dma_start3A_88 = tpu.memref_slice %arg6[%dma_start3A_87] : memref<832xi32, #tpu.memory_space<vmem>> -> memref<416xi32, #tpu.memory_space<vmem>>
    %dma_start3A_89 = arith.constant 0 : i32
    %dma_start3A_90 = arith.constant 0 : i32
    %dma_start3A_91 = tpu.memref_slice %arg2[%dma_start3A_89, %dma_start3A_90] : memref<250000x128xf32, #tpu.memory_space<hbm>> -> memref<250000x128xf32, #tpu.memory_space<hbm>>
    tpu.enqueue_indirect_dma source(%dma_start3A_91 : memref<250000x128xf32, #tpu.memory_space<hbm>>) target(%arg7 : memref<416x128xf32, #tpu.memory_space<vmem>>) offsets(%dma_start3A_88 : memref<416xi32, #tpu.memory_space<vmem>>) semaphore(%arg11 : memref<!tpu.dma_semaphore, #tpu.memory_space<semaphore_mem>>)
    %dma_start3A_92 = arith.constant 416 : i32
    %dma_start3A_93 = tpu.memref_slice %arg6[%dma_start3A_92] : memref<832xi32, #tpu.memory_space<vmem>> -> memref<416xi32, #tpu.memory_space<vmem>>
    %dma_start3A_94 = arith.constant 0 : i32
    %dma_start3A_95 = arith.constant 0 : i32
    %dma_start3A_96 = tpu.memref_slice %arg2[%dma_start3A_94, %dma_start3A_95] : memref<250000x128xf32, #tpu.memory_space<hbm>> -> memref<250000x128xf32, #tpu.memory_space<hbm>>
    tpu.enqueue_indirect_dma source(%dma_start3A_96 : memref<250000x128xf32, #tpu.memory_space<hbm>>) target(%arg8 : memref<416x128xf32, #tpu.memory_space<vmem>>) offsets(%dma_start3A_93 : memref<416xi32, #tpu.memory_space<vmem>>) semaphore(%arg12 : memref<!tpu.dma_semaphore, #tpu.memory_space<semaphore_mem>>)
    %dma_start3A_97 = arith.constant 0 : i32
    %dma_start3A_98 = tpu.memref_slice %arg4[%dma_start3A_97] : memref<1000000xf32, #tpu.memory_space<hbm>> -> memref<1000000xf32, #tpu.memory_space<hbm>>
    tpu.enqueue_indirect_dma source(%dma_start3A_98 : memref<1000000xf32, #tpu.memory_space<hbm>>) target(%arg9 : memref<832xf32, #tpu.memory_space<vmem>>) offsets(%arg6 : memref<832xi32, #tpu.memory_space<vmem>>) semaphore(%arg13 : memref<!tpu.dma_semaphore, #tpu.memory_space<semaphore_mem>>)
    %dma_wait3A_99 = arith.constant 0 : i32
    %dma_wait3A_100 = tpu.memref_slice %arg6[%dma_wait3A_99] : memref<832xi32, #tpu.memory_space<vmem>> -> memref<416xi32, #tpu.memory_space<vmem>>
    %dma_wait3A_101 = arith.constant 0 : i32
    %dma_wait3A_102 = arith.constant 0 : i32
    %dma_wait3A_103 = tpu.memref_slice %arg2[%dma_wait3A_101, %dma_wait3A_102] : memref<250000x128xf32, #tpu.memory_space<hbm>> -> memref<250000x128xf32, #tpu.memory_space<hbm>>
    tpu.wait_indirect_dma semaphore(%arg11 : memref<!tpu.dma_semaphore, #tpu.memory_space<semaphore_mem>>) src(%dma_wait3A_103 : memref<250000x128xf32, #tpu.memory_space<hbm>>) dst(%arg7 : memref<416x128xf32, #tpu.memory_space<vmem>>)
    %dma_wait3A_104 = arith.constant 416 : i32
    %dma_wait3A_105 = tpu.memref_slice %arg6[%dma_wait3A_104] : memref<832xi32, #tpu.memory_space<vmem>> -> memref<416xi32, #tpu.memory_space<vmem>>
    %dma_wait3A_106 = arith.constant 0 : i32
    %dma_wait3A_107 = arith.constant 0 : i32
    %dma_wait3A_108 = tpu.memref_slice %arg2[%dma_wait3A_106, %dma_wait3A_107] : memref<250000x128xf32, #tpu.memory_space<hbm>> -> memref<250000x128xf32, #tpu.memory_space<hbm>>
    tpu.wait_indirect_dma semaphore(%arg12 : memref<!tpu.dma_semaphore, #tpu.memory_space<semaphore_mem>>) src(%dma_wait3A_108 : memref<250000x128xf32, #tpu.memory_space<hbm>>) dst(%arg8 : memref<416x128xf32, #tpu.memory_space<vmem>>)
    %dma_wait3A_109 = arith.constant 0 : i32
    %dma_wait3A_110 = tpu.memref_slice %arg4[%dma_wait3A_109] : memref<1000000xf32, #tpu.memory_space<hbm>> -> memref<1000000xf32, #tpu.memory_space<hbm>>
    tpu.wait_indirect_dma semaphore(%arg13 : memref<!tpu.dma_semaphore, #tpu.memory_space<semaphore_mem>>) src(%dma_wait3A_110 : memref<1000000xf32, #tpu.memory_space<hbm>>) dst(%arg9 : memref<832xf32, #tpu.memory_space<vmem>>)
    %mul3A_111 = arith.constant 13312 : i32
    %mul3A_112 = arith.muli %add3A, %mul3A_111 : i32
    %add3A_113 = arith.constant 3328 : i32
    %add3A_114 = arith.addi %mul3A_112, %add3A_113 : i32
    "tpu.region"() ({
      %run_scoped3A = tpu.sem_alloc : memref<!tpu.dma_semaphore, #tpu.memory_space<semaphore_mem>>
      %dma_start3A_449 = tpu.memref_slice %arg3[%add3A_114] : memref<425984xi32, #tpu.memory_space<hbm>> -> memref<832xi32, #tpu.memory_space<hbm>>
      %dma_start3A_450 = tpu.memref_slice %arg3[%add3A_114] : memref<425984xi32, #tpu.memory_space<hbm>> -> memref<832xi32, #tpu.memory_space<hbm>>
      tpu.enqueue_dma source(%dma_start3A_450 : memref<832xi32, #tpu.memory_space<hbm>>) target(%arg6 : memref<832xi32, #tpu.memory_space<vmem>>) target_semaphore(%run_scoped3A : memref<!tpu.dma_semaphore, #tpu.memory_space<semaphore_mem>>)
      %dma_wait3A_451 = tpu.memref_slice %arg3[%add3A_114] : memref<425984xi32, #tpu.memory_space<hbm>> -> memref<832xi32, #tpu.memory_space<hbm>>
      %dma_wait3A_452 = tpu.memref_slice %arg3[%add3A_114] : memref<425984xi32, #tpu.memory_space<hbm>> -> memref<832xi32, #tpu.memory_space<hbm>>
      tpu.wait_dma2 semaphore(%run_scoped3A : memref<!tpu.dma_semaphore, #tpu.memory_space<semaphore_mem>>) src(%dma_wait3A_452 : memref<832xi32, #tpu.memory_space<hbm>>) dst(%arg6 : memref<832xi32, #tpu.memory_space<vmem>>)
      tpu.yield
    }) : () -> ()
    %dma_start3A_115 = arith.constant 0 : i32
    %dma_start3A_116 = tpu.memref_slice %arg6[%dma_start3A_115] : memref<832xi32, #tpu.memory_space<vmem>> -> memref<416xi32, #tpu.memory_space<vmem>>
    %dma_start3A_117 = arith.constant 0 : i32
    %dma_start3A_118 = arith.constant 0 : i32
    %dma_start3A_119 = tpu.memref_slice %arg2[%dma_start3A_117, %dma_start3A_118] : memref<250000x128xf32, #tpu.memory_space<hbm>> -> memref<250000x128xf32, #tpu.memory_space<hbm>>
    tpu.enqueue_indirect_dma source(%dma_start3A_119 : memref<250000x128xf32, #tpu.memory_space<hbm>>) target(%arg7 : memref<416x128xf32, #tpu.memory_space<vmem>>) offsets(%dma_start3A_116 : memref<416xi32, #tpu.memory_space<vmem>>) semaphore(%arg11 : memref<!tpu.dma_semaphore, #tpu.memory_space<semaphore_mem>>)
    %dma_start3A_120 = arith.constant 416 : i32
    %dma_start3A_121 = tpu.memref_slice %arg6[%dma_start3A_120] : memref<832xi32, #tpu.memory_space<vmem>> -> memref<416xi32, #tpu.memory_space<vmem>>
    %dma_start3A_122 = arith.constant 0 : i32
    %dma_start3A_123 = arith.constant 0 : i32
    %dma_start3A_124 = tpu.memref_slice %arg2[%dma_start3A_122, %dma_start3A_123] : memref<250000x128xf32, #tpu.memory_space<hbm>> -> memref<250000x128xf32, #tpu.memory_space<hbm>>
    tpu.enqueue_indirect_dma source(%dma_start3A_124 : memref<250000x128xf32, #tpu.memory_space<hbm>>) target(%arg8 : memref<416x128xf32, #tpu.memory_space<vmem>>) offsets(%dma_start3A_121 : memref<416xi32, #tpu.memory_space<vmem>>) semaphore(%arg12 : memref<!tpu.dma_semaphore, #tpu.memory_space<semaphore_mem>>)
    %dma_start3A_125 = arith.constant 0 : i32
    %dma_start3A_126 = tpu.memref_slice %arg4[%dma_start3A_125] : memref<1000000xf32, #tpu.memory_space<hbm>> -> memref<1000000xf32, #tpu.memory_space<hbm>>
    tpu.enqueue_indirect_dma source(%dma_start3A_126 : memref<1000000xf32, #tpu.memory_space<hbm>>) target(%arg9 : memref<832xf32, #tpu.memory_space<vmem>>) offsets(%arg6 : memref<832xi32, #tpu.memory_space<vmem>>) semaphore(%arg13 : memref<!tpu.dma_semaphore, #tpu.memory_space<semaphore_mem>>)
    %dma_wait3A_127 = arith.constant 0 : i32
    %dma_wait3A_128 = tpu.memref_slice %arg6[%dma_wait3A_127] : memref<832xi32, #tpu.memory_space<vmem>> -> memref<416xi32, #tpu.memory_space<vmem>>
    %dma_wait3A_129 = arith.constant 0 : i32
    %dma_wait3A_130 = arith.constant 0 : i32
    %dma_wait3A_131 = tpu.memref_slice %arg2[%dma_wait3A_129, %dma_wait3A_130] : memref<250000x128xf32, #tpu.memory_space<hbm>> -> memref<250000x128xf32, #tpu.memory_space<hbm>>
    tpu.wait_indirect_dma semaphore(%arg11 : memref<!tpu.dma_semaphore, #tpu.memory_space<semaphore_mem>>) src(%dma_wait3A_131 : memref<250000x128xf32, #tpu.memory_space<hbm>>) dst(%arg7 : memref<416x128xf32, #tpu.memory_space<vmem>>)
    %dma_wait3A_132 = arith.constant 416 : i32
    %dma_wait3A_133 = tpu.memref_slice %arg6[%dma_wait3A_132] : memref<832xi32, #tpu.memory_space<vmem>> -> memref<416xi32, #tpu.memory_space<vmem>>
    %dma_wait3A_134 = arith.constant 0 : i32
    %dma_wait3A_135 = arith.constant 0 : i32
    %dma_wait3A_136 = tpu.memref_slice %arg2[%dma_wait3A_134, %dma_wait3A_135] : memref<250000x128xf32, #tpu.memory_space<hbm>> -> memref<250000x128xf32, #tpu.memory_space<hbm>>
    tpu.wait_indirect_dma semaphore(%arg12 : memref<!tpu.dma_semaphore, #tpu.memory_space<semaphore_mem>>) src(%dma_wait3A_136 : memref<250000x128xf32, #tpu.memory_space<hbm>>) dst(%arg8 : memref<416x128xf32, #tpu.memory_space<vmem>>)
    %dma_wait3A_137 = arith.constant 0 : i32
    %dma_wait3A_138 = tpu.memref_slice %arg4[%dma_wait3A_137] : memref<1000000xf32, #tpu.memory_space<hbm>> -> memref<1000000xf32, #tpu.memory_space<hbm>>
    tpu.wait_indirect_dma semaphore(%arg13 : memref<!tpu.dma_semaphore, #tpu.memory_space<semaphore_mem>>) src(%dma_wait3A_138 : memref<1000000xf32, #tpu.memory_space<hbm>>) dst(%arg9 : memref<832xf32, #tpu.memory_space<vmem>>)
    %mul3A_139 = arith.constant 13312 : i32
    %mul3A_140 = arith.muli %add3A, %mul3A_139 : i32
    %add3A_141 = arith.constant 4160 : i32
    %add3A_142 = arith.addi %mul3A_140, %add3A_141 : i32
    "tpu.region"() ({
      %run_scoped3A = tpu.sem_alloc : memref<!tpu.dma_semaphore, #tpu.memory_space<semaphore_mem>>
      %dma_start3A_449 = tpu.memref_slice %arg3[%add3A_142] : memref<425984xi32, #tpu.memory_space<hbm>> -> memref<832xi32, #tpu.memory_space<hbm>>
      %dma_start3A_450 = tpu.memref_slice %arg3[%add3A_142] : memref<425984xi32, #tpu.memory_space<hbm>> -> memref<832xi32, #tpu.memory_space<hbm>>
      tpu.enqueue_dma source(%dma_start3A_450 : memref<832xi32, #tpu.memory_space<hbm>>) target(%arg6 : memref<832xi32, #tpu.memory_space<vmem>>) target_semaphore(%run_scoped3A : memref<!tpu.dma_semaphore, #tpu.memory_space<semaphore_mem>>)
      %dma_wait3A_451 = tpu.memref_slice %arg3[%add3A_142] : memref<425984xi32, #tpu.memory_space<hbm>> -> memref<832xi32, #tpu.memory_space<hbm>>
      %dma_wait3A_452 = tpu.memref_slice %arg3[%add3A_142] : memref<425984xi32, #tpu.memory_space<hbm>> -> memref<832xi32, #tpu.memory_space<hbm>>
      tpu.wait_dma2 semaphore(%run_scoped3A : memref<!tpu.dma_semaphore, #tpu.memory_space<semaphore_mem>>) src(%dma_wait3A_452 : memref<832xi32, #tpu.memory_space<hbm>>) dst(%arg6 : memref<832xi32, #tpu.memory_space<vmem>>)
      tpu.yield
    }) : () -> ()
    %dma_start3A_143 = arith.constant 0 : i32
    %dma_start3A_144 = tpu.memref_slice %arg6[%dma_start3A_143] : memref<832xi32, #tpu.memory_space<vmem>> -> memref<416xi32, #tpu.memory_space<vmem>>
    %dma_start3A_145 = arith.constant 0 : i32
    %dma_start3A_146 = arith.constant 0 : i32
    %dma_start3A_147 = tpu.memref_slice %arg2[%dma_start3A_145, %dma_start3A_146] : memref<250000x128xf32, #tpu.memory_space<hbm>> -> memref<250000x128xf32, #tpu.memory_space<hbm>>
    tpu.enqueue_indirect_dma source(%dma_start3A_147 : memref<250000x128xf32, #tpu.memory_space<hbm>>) target(%arg7 : memref<416x128xf32, #tpu.memory_space<vmem>>) offsets(%dma_start3A_144 : memref<416xi32, #tpu.memory_space<vmem>>) semaphore(%arg11 : memref<!tpu.dma_semaphore, #tpu.memory_space<semaphore_mem>>)
    %dma_start3A_148 = arith.constant 416 : i32
    %dma_start3A_149 = tpu.memref_slice %arg6[%dma_start3A_148] : memref<832xi32, #tpu.memory_space<vmem>> -> memref<416xi32, #tpu.memory_space<vmem>>
    %dma_start3A_150 = arith.constant 0 : i32
    %dma_start3A_151 = arith.constant 0 : i32
    %dma_start3A_152 = tpu.memref_slice %arg2[%dma_start3A_150, %dma_start3A_151] : memref<250000x128xf32, #tpu.memory_space<hbm>> -> memref<250000x128xf32, #tpu.memory_space<hbm>>
    tpu.enqueue_indirect_dma source(%dma_start3A_152 : memref<250000x128xf32, #tpu.memory_space<hbm>>) target(%arg8 : memref<416x128xf32, #tpu.memory_space<vmem>>) offsets(%dma_start3A_149 : memref<416xi32, #tpu.memory_space<vmem>>) semaphore(%arg12 : memref<!tpu.dma_semaphore, #tpu.memory_space<semaphore_mem>>)
    %dma_start3A_153 = arith.constant 0 : i32
    %dma_start3A_154 = tpu.memref_slice %arg4[%dma_start3A_153] : memref<1000000xf32, #tpu.memory_space<hbm>> -> memref<1000000xf32, #tpu.memory_space<hbm>>
    tpu.enqueue_indirect_dma source(%dma_start3A_154 : memref<1000000xf32, #tpu.memory_space<hbm>>) target(%arg9 : memref<832xf32, #tpu.memory_space<vmem>>) offsets(%arg6 : memref<832xi32, #tpu.memory_space<vmem>>) semaphore(%arg13 : memref<!tpu.dma_semaphore, #tpu.memory_space<semaphore_mem>>)
    %dma_wait3A_155 = arith.constant 0 : i32
    %dma_wait3A_156 = tpu.memref_slice %arg6[%dma_wait3A_155] : memref<832xi32, #tpu.memory_space<vmem>> -> memref<416xi32, #tpu.memory_space<vmem>>
    %dma_wait3A_157 = arith.constant 0 : i32
    %dma_wait3A_158 = arith.constant 0 : i32
    %dma_wait3A_159 = tpu.memref_slice %arg2[%dma_wait3A_157, %dma_wait3A_158] : memref<250000x128xf32, #tpu.memory_space<hbm>> -> memref<250000x128xf32, #tpu.memory_space<hbm>>
    tpu.wait_indirect_dma semaphore(%arg11 : memref<!tpu.dma_semaphore, #tpu.memory_space<semaphore_mem>>) src(%dma_wait3A_159 : memref<250000x128xf32, #tpu.memory_space<hbm>>) dst(%arg7 : memref<416x128xf32, #tpu.memory_space<vmem>>)
    %dma_wait3A_160 = arith.constant 416 : i32
    %dma_wait3A_161 = tpu.memref_slice %arg6[%dma_wait3A_160] : memref<832xi32, #tpu.memory_space<vmem>> -> memref<416xi32, #tpu.memory_space<vmem>>
    %dma_wait3A_162 = arith.constant 0 : i32
    %dma_wait3A_163 = arith.constant 0 : i32
    %dma_wait3A_164 = tpu.memref_slice %arg2[%dma_wait3A_162, %dma_wait3A_163] : memref<250000x128xf32, #tpu.memory_space<hbm>> -> memref<250000x128xf32, #tpu.memory_space<hbm>>
    tpu.wait_indirect_dma semaphore(%arg12 : memref<!tpu.dma_semaphore, #tpu.memory_space<semaphore_mem>>) src(%dma_wait3A_164 : memref<250000x128xf32, #tpu.memory_space<hbm>>) dst(%arg8 : memref<416x128xf32, #tpu.memory_space<vmem>>)
    %dma_wait3A_165 = arith.constant 0 : i32
    %dma_wait3A_166 = tpu.memref_slice %arg4[%dma_wait3A_165] : memref<1000000xf32, #tpu.memory_space<hbm>> -> memref<1000000xf32, #tpu.memory_space<hbm>>
    tpu.wait_indirect_dma semaphore(%arg13 : memref<!tpu.dma_semaphore, #tpu.memory_space<semaphore_mem>>) src(%dma_wait3A_166 : memref<1000000xf32, #tpu.memory_space<hbm>>) dst(%arg9 : memref<832xf32, #tpu.memory_space<vmem>>)
    %mul3A_167 = arith.constant 13312 : i32
    %mul3A_168 = arith.muli %add3A, %mul3A_167 : i32
    %add3A_169 = arith.constant 4992 : i32
    %add3A_170 = arith.addi %mul3A_168, %add3A_169 : i32
    "tpu.region"() ({
      %run_scoped3A = tpu.sem_alloc : memref<!tpu.dma_semaphore, #tpu.memory_space<semaphore_mem>>
      %dma_start3A_449 = tpu.memref_slice %arg3[%add3A_170] : memref<425984xi32, #tpu.memory_space<hbm>> -> memref<832xi32, #tpu.memory_space<hbm>>
      %dma_start3A_450 = tpu.memref_slice %arg3[%add3A_170] : memref<425984xi32, #tpu.memory_space<hbm>> -> memref<832xi32, #tpu.memory_space<hbm>>
      tpu.enqueue_dma source(%dma_start3A_450 : memref<832xi32, #tpu.memory_space<hbm>>) target(%arg6 : memref<832xi32, #tpu.memory_space<vmem>>) target_semaphore(%run_scoped3A : memref<!tpu.dma_semaphore, #tpu.memory_space<semaphore_mem>>)
      %dma_wait3A_451 = tpu.memref_slice %arg3[%add3A_170] : memref<425984xi32, #tpu.memory_space<hbm>> -> memref<832xi32, #tpu.memory_space<hbm>>
      %dma_wait3A_452 = tpu.memref_slice %arg3[%add3A_170] : memref<425984xi32, #tpu.memory_space<hbm>> -> memref<832xi32, #tpu.memory_space<hbm>>
      tpu.wait_dma2 semaphore(%run_scoped3A : memref<!tpu.dma_semaphore, #tpu.memory_space<semaphore_mem>>) src(%dma_wait3A_452 : memref<832xi32, #tpu.memory_space<hbm>>) dst(%arg6 : memref<832xi32, #tpu.memory_space<vmem>>)
      tpu.yield
    }) : () -> ()
    %dma_start3A_171 = arith.constant 0 : i32
    %dma_start3A_172 = tpu.memref_slice %arg6[%dma_start3A_171] : memref<832xi32, #tpu.memory_space<vmem>> -> memref<416xi32, #tpu.memory_space<vmem>>
    %dma_start3A_173 = arith.constant 0 : i32
    %dma_start3A_174 = arith.constant 0 : i32
    %dma_start3A_175 = tpu.memref_slice %arg2[%dma_start3A_173, %dma_start3A_174] : memref<250000x128xf32, #tpu.memory_space<hbm>> -> memref<250000x128xf32, #tpu.memory_space<hbm>>
    tpu.enqueue_indirect_dma source(%dma_start3A_175 : memref<250000x128xf32, #tpu.memory_space<hbm>>) target(%arg7 : memref<416x128xf32, #tpu.memory_space<vmem>>) offsets(%dma_start3A_172 : memref<416xi32, #tpu.memory_space<vmem>>) semaphore(%arg11 : memref<!tpu.dma_semaphore, #tpu.memory_space<semaphore_mem>>)
    %dma_start3A_176 = arith.constant 416 : i32
    %dma_start3A_177 = tpu.memref_slice %arg6[%dma_start3A_176] : memref<832xi32, #tpu.memory_space<vmem>> -> memref<416xi32, #tpu.memory_space<vmem>>
    %dma_start3A_178 = arith.constant 0 : i32
    %dma_start3A_179 = arith.constant 0 : i32
    %dma_start3A_180 = tpu.memref_slice %arg2[%dma_start3A_178, %dma_start3A_179] : memref<250000x128xf32, #tpu.memory_space<hbm>> -> memref<250000x128xf32, #tpu.memory_space<hbm>>
    tpu.enqueue_indirect_dma source(%dma_start3A_180 : memref<250000x128xf32, #tpu.memory_space<hbm>>) target(%arg8 : memref<416x128xf32, #tpu.memory_space<vmem>>) offsets(%dma_start3A_177 : memref<416xi32, #tpu.memory_space<vmem>>) semaphore(%arg12 : memref<!tpu.dma_semaphore, #tpu.memory_space<semaphore_mem>>)
    %dma_start3A_181 = arith.constant 0 : i32
    %dma_start3A_182 = tpu.memref_slice %arg4[%dma_start3A_181] : memref<1000000xf32, #tpu.memory_space<hbm>> -> memref<1000000xf32, #tpu.memory_space<hbm>>
    tpu.enqueue_indirect_dma source(%dma_start3A_182 : memref<1000000xf32, #tpu.memory_space<hbm>>) target(%arg9 : memref<832xf32, #tpu.memory_space<vmem>>) offsets(%arg6 : memref<832xi32, #tpu.memory_space<vmem>>) semaphore(%arg13 : memref<!tpu.dma_semaphore, #tpu.memory_space<semaphore_mem>>)
    %dma_wait3A_183 = arith.constant 0 : i32
    %dma_wait3A_184 = tpu.memref_slice %arg6[%dma_wait3A_183] : memref<832xi32, #tpu.memory_space<vmem>> -> memref<416xi32, #tpu.memory_space<vmem>>
    %dma_wait3A_185 = arith.constant 0 : i32
    %dma_wait3A_186 = arith.constant 0 : i32
    %dma_wait3A_187 = tpu.memref_slice %arg2[%dma_wait3A_185, %dma_wait3A_186] : memref<250000x128xf32, #tpu.memory_space<hbm>> -> memref<250000x128xf32, #tpu.memory_space<hbm>>
    tpu.wait_indirect_dma semaphore(%arg11 : memref<!tpu.dma_semaphore, #tpu.memory_space<semaphore_mem>>) src(%dma_wait3A_187 : memref<250000x128xf32, #tpu.memory_space<hbm>>) dst(%arg7 : memref<416x128xf32, #tpu.memory_space<vmem>>)
    %dma_wait3A_188 = arith.constant 416 : i32
    %dma_wait3A_189 = tpu.memref_slice %arg6[%dma_wait3A_188] : memref<832xi32, #tpu.memory_space<vmem>> -> memref<416xi32, #tpu.memory_space<vmem>>
    %dma_wait3A_190 = arith.constant 0 : i32
    %dma_wait3A_191 = arith.constant 0 : i32
    %dma_wait3A_192 = tpu.memref_slice %arg2[%dma_wait3A_190, %dma_wait3A_191] : memref<250000x128xf32, #tpu.memory_space<hbm>> -> memref<250000x128xf32, #tpu.memory_space<hbm>>
    tpu.wait_indirect_dma semaphore(%arg12 : memref<!tpu.dma_semaphore, #tpu.memory_space<semaphore_mem>>) src(%dma_wait3A_192 : memref<250000x128xf32, #tpu.memory_space<hbm>>) dst(%arg8 : memref<416x128xf32, #tpu.memory_space<vmem>>)
    %dma_wait3A_193 = arith.constant 0 : i32
    %dma_wait3A_194 = tpu.memref_slice %arg4[%dma_wait3A_193] : memref<1000000xf32, #tpu.memory_space<hbm>> -> memref<1000000xf32, #tpu.memory_space<hbm>>
    tpu.wait_indirect_dma semaphore(%arg13 : memref<!tpu.dma_semaphore, #tpu.memory_space<semaphore_mem>>) src(%dma_wait3A_194 : memref<1000000xf32, #tpu.memory_space<hbm>>) dst(%arg9 : memref<832xf32, #tpu.memory_space<vmem>>)
    %mul3A_195 = arith.constant 13312 : i32
    %mul3A_196 = arith.muli %add3A, %mul3A_195 : i32
    %add3A_197 = arith.constant 5824 : i32
    %add3A_198 = arith.addi %mul3A_196, %add3A_197 : i32
    "tpu.region"() ({
      %run_scoped3A = tpu.sem_alloc : memref<!tpu.dma_semaphore, #tpu.memory_space<semaphore_mem>>
      %dma_start3A_449 = tpu.memref_slice %arg3[%add3A_198] : memref<425984xi32, #tpu.memory_space<hbm>> -> memref<832xi32, #tpu.memory_space<hbm>>
      %dma_start3A_450 = tpu.memref_slice %arg3[%add3A_198] : memref<425984xi32, #tpu.memory_space<hbm>> -> memref<832xi32, #tpu.memory_space<hbm>>
      tpu.enqueue_dma source(%dma_start3A_450 : memref<832xi32, #tpu.memory_space<hbm>>) target(%arg6 : memref<832xi32, #tpu.memory_space<vmem>>) target_semaphore(%run_scoped3A : memref<!tpu.dma_semaphore, #tpu.memory_space<semaphore_mem>>)
      %dma_wait3A_451 = tpu.memref_slice %arg3[%add3A_198] : memref<425984xi32, #tpu.memory_space<hbm>> -> memref<832xi32, #tpu.memory_space<hbm>>
      %dma_wait3A_452 = tpu.memref_slice %arg3[%add3A_198] : memref<425984xi32, #tpu.memory_space<hbm>> -> memref<832xi32, #tpu.memory_space<hbm>>
      tpu.wait_dma2 semaphore(%run_scoped3A : memref<!tpu.dma_semaphore, #tpu.memory_space<semaphore_mem>>) src(%dma_wait3A_452 : memref<832xi32, #tpu.memory_space<hbm>>) dst(%arg6 : memref<832xi32, #tpu.memory_space<vmem>>)
      tpu.yield
    }) : () -> ()
    %dma_start3A_199 = arith.constant 0 : i32
    %dma_start3A_200 = tpu.memref_slice %arg6[%dma_start3A_199] : memref<832xi32, #tpu.memory_space<vmem>> -> memref<416xi32, #tpu.memory_space<vmem>>
    %dma_start3A_201 = arith.constant 0 : i32
    %dma_start3A_202 = arith.constant 0 : i32
    %dma_start3A_203 = tpu.memref_slice %arg2[%dma_start3A_201, %dma_start3A_202] : memref<250000x128xf32, #tpu.memory_space<hbm>> -> memref<250000x128xf32, #tpu.memory_space<hbm>>
    tpu.enqueue_indirect_dma source(%dma_start3A_203 : memref<250000x128xf32, #tpu.memory_space<hbm>>) target(%arg7 : memref<416x128xf32, #tpu.memory_space<vmem>>) offsets(%dma_start3A_200 : memref<416xi32, #tpu.memory_space<vmem>>) semaphore(%arg11 : memref<!tpu.dma_semaphore, #tpu.memory_space<semaphore_mem>>)
    %dma_start3A_204 = arith.constant 416 : i32
    %dma_start3A_205 = tpu.memref_slice %arg6[%dma_start3A_204] : memref<832xi32, #tpu.memory_space<vmem>> -> memref<416xi32, #tpu.memory_space<vmem>>
    %dma_start3A_206 = arith.constant 0 : i32
    %dma_start3A_207 = arith.constant 0 : i32
    %dma_start3A_208 = tpu.memref_slice %arg2[%dma_start3A_206, %dma_start3A_207] : memref<250000x128xf32, #tpu.memory_space<hbm>> -> memref<250000x128xf32, #tpu.memory_space<hbm>>
    tpu.enqueue_indirect_dma source(%dma_start3A_208 : memref<250000x128xf32, #tpu.memory_space<hbm>>) target(%arg8 : memref<416x128xf32, #tpu.memory_space<vmem>>) offsets(%dma_start3A_205 : memref<416xi32, #tpu.memory_space<vmem>>) semaphore(%arg12 : memref<!tpu.dma_semaphore, #tpu.memory_space<semaphore_mem>>)
    %dma_start3A_209 = arith.constant 0 : i32
    %dma_start3A_210 = tpu.memref_slice %arg4[%dma_start3A_209] : memref<1000000xf32, #tpu.memory_space<hbm>> -> memref<1000000xf32, #tpu.memory_space<hbm>>
    tpu.enqueue_indirect_dma source(%dma_start3A_210 : memref<1000000xf32, #tpu.memory_space<hbm>>) target(%arg9 : memref<832xf32, #tpu.memory_space<vmem>>) offsets(%arg6 : memref<832xi32, #tpu.memory_space<vmem>>) semaphore(%arg13 : memref<!tpu.dma_semaphore, #tpu.memory_space<semaphore_mem>>)
    %dma_wait3A_211 = arith.constant 0 : i32
    %dma_wait3A_212 = tpu.memref_slice %arg6[%dma_wait3A_211] : memref<832xi32, #tpu.memory_space<vmem>> -> memref<416xi32, #tpu.memory_space<vmem>>
    %dma_wait3A_213 = arith.constant 0 : i32
    %dma_wait3A_214 = arith.constant 0 : i32
    %dma_wait3A_215 = tpu.memref_slice %arg2[%dma_wait3A_213, %dma_wait3A_214] : memref<250000x128xf32, #tpu.memory_space<hbm>> -> memref<250000x128xf32, #tpu.memory_space<hbm>>
    tpu.wait_indirect_dma semaphore(%arg11 : memref<!tpu.dma_semaphore, #tpu.memory_space<semaphore_mem>>) src(%dma_wait3A_215 : memref<250000x128xf32, #tpu.memory_space<hbm>>) dst(%arg7 : memref<416x128xf32, #tpu.memory_space<vmem>>)
    %dma_wait3A_216 = arith.constant 416 : i32
    %dma_wait3A_217 = tpu.memref_slice %arg6[%dma_wait3A_216] : memref<832xi32, #tpu.memory_space<vmem>> -> memref<416xi32, #tpu.memory_space<vmem>>
    %dma_wait3A_218 = arith.constant 0 : i32
    %dma_wait3A_219 = arith.constant 0 : i32
    %dma_wait3A_220 = tpu.memref_slice %arg2[%dma_wait3A_218, %dma_wait3A_219] : memref<250000x128xf32, #tpu.memory_space<hbm>> -> memref<250000x128xf32, #tpu.memory_space<hbm>>
    tpu.wait_indirect_dma semaphore(%arg12 : memref<!tpu.dma_semaphore, #tpu.memory_space<semaphore_mem>>) src(%dma_wait3A_220 : memref<250000x128xf32, #tpu.memory_space<hbm>>) dst(%arg8 : memref<416x128xf32, #tpu.memory_space<vmem>>)
    %dma_wait3A_221 = arith.constant 0 : i32
    %dma_wait3A_222 = tpu.memref_slice %arg4[%dma_wait3A_221] : memref<1000000xf32, #tpu.memory_space<hbm>> -> memref<1000000xf32, #tpu.memory_space<hbm>>
    tpu.wait_indirect_dma semaphore(%arg13 : memref<!tpu.dma_semaphore, #tpu.memory_space<semaphore_mem>>) src(%dma_wait3A_222 : memref<1000000xf32, #tpu.memory_space<hbm>>) dst(%arg9 : memref<832xf32, #tpu.memory_space<vmem>>)
    %mul3A_223 = arith.constant 13312 : i32
    %mul3A_224 = arith.muli %add3A, %mul3A_223 : i32
    %add3A_225 = arith.constant 6656 : i32
    %add3A_226 = arith.addi %mul3A_224, %add3A_225 : i32
    "tpu.region"() ({
      %run_scoped3A = tpu.sem_alloc : memref<!tpu.dma_semaphore, #tpu.memory_space<semaphore_mem>>
      %dma_start3A_449 = tpu.memref_slice %arg3[%add3A_226] : memref<425984xi32, #tpu.memory_space<hbm>> -> memref<832xi32, #tpu.memory_space<hbm>>
      %dma_start3A_450 = tpu.memref_slice %arg3[%add3A_226] : memref<425984xi32, #tpu.memory_space<hbm>> -> memref<832xi32, #tpu.memory_space<hbm>>
      tpu.enqueue_dma source(%dma_start3A_450 : memref<832xi32, #tpu.memory_space<hbm>>) target(%arg6 : memref<832xi32, #tpu.memory_space<vmem>>) target_semaphore(%run_scoped3A : memref<!tpu.dma_semaphore, #tpu.memory_space<semaphore_mem>>)
      %dma_wait3A_451 = tpu.memref_slice %arg3[%add3A_226] : memref<425984xi32, #tpu.memory_space<hbm>> -> memref<832xi32, #tpu.memory_space<hbm>>
      %dma_wait3A_452 = tpu.memref_slice %arg3[%add3A_226] : memref<425984xi32, #tpu.memory_space<hbm>> -> memref<832xi32, #tpu.memory_space<hbm>>
      tpu.wait_dma2 semaphore(%run_scoped3A : memref<!tpu.dma_semaphore, #tpu.memory_space<semaphore_mem>>) src(%dma_wait3A_452 : memref<832xi32, #tpu.memory_space<hbm>>) dst(%arg6 : memref<832xi32, #tpu.memory_space<vmem>>)
      tpu.yield
    }) : () -> ()
    %dma_start3A_227 = arith.constant 0 : i32
    %dma_start3A_228 = tpu.memref_slice %arg6[%dma_start3A_227] : memref<832xi32, #tpu.memory_space<vmem>> -> memref<416xi32, #tpu.memory_space<vmem>>
    %dma_start3A_229 = arith.constant 0 : i32
    %dma_start3A_230 = arith.constant 0 : i32
    %dma_start3A_231 = tpu.memref_slice %arg2[%dma_start3A_229, %dma_start3A_230] : memref<250000x128xf32, #tpu.memory_space<hbm>> -> memref<250000x128xf32, #tpu.memory_space<hbm>>
    tpu.enqueue_indirect_dma source(%dma_start3A_231 : memref<250000x128xf32, #tpu.memory_space<hbm>>) target(%arg7 : memref<416x128xf32, #tpu.memory_space<vmem>>) offsets(%dma_start3A_228 : memref<416xi32, #tpu.memory_space<vmem>>) semaphore(%arg11 : memref<!tpu.dma_semaphore, #tpu.memory_space<semaphore_mem>>)
    %dma_start3A_232 = arith.constant 416 : i32
    %dma_start3A_233 = tpu.memref_slice %arg6[%dma_start3A_232] : memref<832xi32, #tpu.memory_space<vmem>> -> memref<416xi32, #tpu.memory_space<vmem>>
    %dma_start3A_234 = arith.constant 0 : i32
    %dma_start3A_235 = arith.constant 0 : i32
    %dma_start3A_236 = tpu.memref_slice %arg2[%dma_start3A_234, %dma_start3A_235] : memref<250000x128xf32, #tpu.memory_space<hbm>> -> memref<250000x128xf32, #tpu.memory_space<hbm>>
    tpu.enqueue_indirect_dma source(%dma_start3A_236 : memref<250000x128xf32, #tpu.memory_space<hbm>>) target(%arg8 : memref<416x128xf32, #tpu.memory_space<vmem>>) offsets(%dma_start3A_233 : memref<416xi32, #tpu.memory_space<vmem>>) semaphore(%arg12 : memref<!tpu.dma_semaphore, #tpu.memory_space<semaphore_mem>>)
    %dma_start3A_237 = arith.constant 0 : i32
    %dma_start3A_238 = tpu.memref_slice %arg4[%dma_start3A_237] : memref<1000000xf32, #tpu.memory_space<hbm>> -> memref<1000000xf32, #tpu.memory_space<hbm>>
    tpu.enqueue_indirect_dma source(%dma_start3A_238 : memref<1000000xf32, #tpu.memory_space<hbm>>) target(%arg9 : memref<832xf32, #tpu.memory_space<vmem>>) offsets(%arg6 : memref<832xi32, #tpu.memory_space<vmem>>) semaphore(%arg13 : memref<!tpu.dma_semaphore, #tpu.memory_space<semaphore_mem>>)
    %dma_wait3A_239 = arith.constant 0 : i32
    %dma_wait3A_240 = tpu.memref_slice %arg6[%dma_wait3A_239] : memref<832xi32, #tpu.memory_space<vmem>> -> memref<416xi32, #tpu.memory_space<vmem>>
    %dma_wait3A_241 = arith.constant 0 : i32
    %dma_wait3A_242 = arith.constant 0 : i32
    %dma_wait3A_243 = tpu.memref_slice %arg2[%dma_wait3A_241, %dma_wait3A_242] : memref<250000x128xf32, #tpu.memory_space<hbm>> -> memref<250000x128xf32, #tpu.memory_space<hbm>>
    tpu.wait_indirect_dma semaphore(%arg11 : memref<!tpu.dma_semaphore, #tpu.memory_space<semaphore_mem>>) src(%dma_wait3A_243 : memref<250000x128xf32, #tpu.memory_space<hbm>>) dst(%arg7 : memref<416x128xf32, #tpu.memory_space<vmem>>)
    %dma_wait3A_244 = arith.constant 416 : i32
    %dma_wait3A_245 = tpu.memref_slice %arg6[%dma_wait3A_244] : memref<832xi32, #tpu.memory_space<vmem>> -> memref<416xi32, #tpu.memory_space<vmem>>
    %dma_wait3A_246 = arith.constant 0 : i32
    %dma_wait3A_247 = arith.constant 0 : i32
    %dma_wait3A_248 = tpu.memref_slice %arg2[%dma_wait3A_246, %dma_wait3A_247] : memref<250000x128xf32, #tpu.memory_space<hbm>> -> memref<250000x128xf32, #tpu.memory_space<hbm>>
    tpu.wait_indirect_dma semaphore(%arg12 : memref<!tpu.dma_semaphore, #tpu.memory_space<semaphore_mem>>) src(%dma_wait3A_248 : memref<250000x128xf32, #tpu.memory_space<hbm>>) dst(%arg8 : memref<416x128xf32, #tpu.memory_space<vmem>>)
    %dma_wait3A_249 = arith.constant 0 : i32
    %dma_wait3A_250 = tpu.memref_slice %arg4[%dma_wait3A_249] : memref<1000000xf32, #tpu.memory_space<hbm>> -> memref<1000000xf32, #tpu.memory_space<hbm>>
    tpu.wait_indirect_dma semaphore(%arg13 : memref<!tpu.dma_semaphore, #tpu.memory_space<semaphore_mem>>) src(%dma_wait3A_250 : memref<1000000xf32, #tpu.memory_space<hbm>>) dst(%arg9 : memref<832xf32, #tpu.memory_space<vmem>>)
    %mul3A_251 = arith.constant 13312 : i32
    %mul3A_252 = arith.muli %add3A, %mul3A_251 : i32
    %add3A_253 = arith.constant 7488 : i32
    %add3A_254 = arith.addi %mul3A_252, %add3A_253 : i32
    "tpu.region"() ({
      %run_scoped3A = tpu.sem_alloc : memref<!tpu.dma_semaphore, #tpu.memory_space<semaphore_mem>>
      %dma_start3A_449 = tpu.memref_slice %arg3[%add3A_254] : memref<425984xi32, #tpu.memory_space<hbm>> -> memref<832xi32, #tpu.memory_space<hbm>>
      %dma_start3A_450 = tpu.memref_slice %arg3[%add3A_254] : memref<425984xi32, #tpu.memory_space<hbm>> -> memref<832xi32, #tpu.memory_space<hbm>>
      tpu.enqueue_dma source(%dma_start3A_450 : memref<832xi32, #tpu.memory_space<hbm>>) target(%arg6 : memref<832xi32, #tpu.memory_space<vmem>>) target_semaphore(%run_scoped3A : memref<!tpu.dma_semaphore, #tpu.memory_space<semaphore_mem>>)
      %dma_wait3A_451 = tpu.memref_slice %arg3[%add3A_254] : memref<425984xi32, #tpu.memory_space<hbm>> -> memref<832xi32, #tpu.memory_space<hbm>>
      %dma_wait3A_452 = tpu.memref_slice %arg3[%add3A_254] : memref<425984xi32, #tpu.memory_space<hbm>> -> memref<832xi32, #tpu.memory_space<hbm>>
      tpu.wait_dma2 semaphore(%run_scoped3A : memref<!tpu.dma_semaphore, #tpu.memory_space<semaphore_mem>>) src(%dma_wait3A_452 : memref<832xi32, #tpu.memory_space<hbm>>) dst(%arg6 : memref<832xi32, #tpu.memory_space<vmem>>)
      tpu.yield
    }) : () -> ()
    %dma_start3A_255 = arith.constant 0 : i32
    %dma_start3A_256 = tpu.memref_slice %arg6[%dma_start3A_255] : memref<832xi32, #tpu.memory_space<vmem>> -> memref<416xi32, #tpu.memory_space<vmem>>
    %dma_start3A_257 = arith.constant 0 : i32
    %dma_start3A_258 = arith.constant 0 : i32
    %dma_start3A_259 = tpu.memref_slice %arg2[%dma_start3A_257, %dma_start3A_258] : memref<250000x128xf32, #tpu.memory_space<hbm>> -> memref<250000x128xf32, #tpu.memory_space<hbm>>
    tpu.enqueue_indirect_dma source(%dma_start3A_259 : memref<250000x128xf32, #tpu.memory_space<hbm>>) target(%arg7 : memref<416x128xf32, #tpu.memory_space<vmem>>) offsets(%dma_start3A_256 : memref<416xi32, #tpu.memory_space<vmem>>) semaphore(%arg11 : memref<!tpu.dma_semaphore, #tpu.memory_space<semaphore_mem>>)
    %dma_start3A_260 = arith.constant 416 : i32
    %dma_start3A_261 = tpu.memref_slice %arg6[%dma_start3A_260] : memref<832xi32, #tpu.memory_space<vmem>> -> memref<416xi32, #tpu.memory_space<vmem>>
    %dma_start3A_262 = arith.constant 0 : i32
    %dma_start3A_263 = arith.constant 0 : i32
    %dma_start3A_264 = tpu.memref_slice %arg2[%dma_start3A_262, %dma_start3A_263] : memref<250000x128xf32, #tpu.memory_space<hbm>> -> memref<250000x128xf32, #tpu.memory_space<hbm>>
    tpu.enqueue_indirect_dma source(%dma_start3A_264 : memref<250000x128xf32, #tpu.memory_space<hbm>>) target(%arg8 : memref<416x128xf32, #tpu.memory_space<vmem>>) offsets(%dma_start3A_261 : memref<416xi32, #tpu.memory_space<vmem>>) semaphore(%arg12 : memref<!tpu.dma_semaphore, #tpu.memory_space<semaphore_mem>>)
    %dma_start3A_265 = arith.constant 0 : i32
    %dma_start3A_266 = tpu.memref_slice %arg4[%dma_start3A_265] : memref<1000000xf32, #tpu.memory_space<hbm>> -> memref<1000000xf32, #tpu.memory_space<hbm>>
    tpu.enqueue_indirect_dma source(%dma_start3A_266 : memref<1000000xf32, #tpu.memory_space<hbm>>) target(%arg9 : memref<832xf32, #tpu.memory_space<vmem>>) offsets(%arg6 : memref<832xi32, #tpu.memory_space<vmem>>) semaphore(%arg13 : memref<!tpu.dma_semaphore, #tpu.memory_space<semaphore_mem>>)
    %dma_wait3A_267 = arith.constant 0 : i32
    %dma_wait3A_268 = tpu.memref_slice %arg6[%dma_wait3A_267] : memref<832xi32, #tpu.memory_space<vmem>> -> memref<416xi32, #tpu.memory_space<vmem>>
    %dma_wait3A_269 = arith.constant 0 : i32
    %dma_wait3A_270 = arith.constant 0 : i32
    %dma_wait3A_271 = tpu.memref_slice %arg2[%dma_wait3A_269, %dma_wait3A_270] : memref<250000x128xf32, #tpu.memory_space<hbm>> -> memref<250000x128xf32, #tpu.memory_space<hbm>>
    tpu.wait_indirect_dma semaphore(%arg11 : memref<!tpu.dma_semaphore, #tpu.memory_space<semaphore_mem>>) src(%dma_wait3A_271 : memref<250000x128xf32, #tpu.memory_space<hbm>>) dst(%arg7 : memref<416x128xf32, #tpu.memory_space<vmem>>)
    %dma_wait3A_272 = arith.constant 416 : i32
    %dma_wait3A_273 = tpu.memref_slice %arg6[%dma_wait3A_272] : memref<832xi32, #tpu.memory_space<vmem>> -> memref<416xi32, #tpu.memory_space<vmem>>
    %dma_wait3A_274 = arith.constant 0 : i32
    %dma_wait3A_275 = arith.constant 0 : i32
    %dma_wait3A_276 = tpu.memref_slice %arg2[%dma_wait3A_274, %dma_wait3A_275] : memref<250000x128xf32, #tpu.memory_space<hbm>> -> memref<250000x128xf32, #tpu.memory_space<hbm>>
    tpu.wait_indirect_dma semaphore(%arg12 : memref<!tpu.dma_semaphore, #tpu.memory_space<semaphore_mem>>) src(%dma_wait3A_276 : memref<250000x128xf32, #tpu.memory_space<hbm>>) dst(%arg8 : memref<416x128xf32, #tpu.memory_space<vmem>>)
    %dma_wait3A_277 = arith.constant 0 : i32
    %dma_wait3A_278 = tpu.memref_slice %arg4[%dma_wait3A_277] : memref<1000000xf32, #tpu.memory_space<hbm>> -> memref<1000000xf32, #tpu.memory_space<hbm>>
    tpu.wait_indirect_dma semaphore(%arg13 : memref<!tpu.dma_semaphore, #tpu.memory_space<semaphore_mem>>) src(%dma_wait3A_278 : memref<1000000xf32, #tpu.memory_space<hbm>>) dst(%arg9 : memref<832xf32, #tpu.memory_space<vmem>>)
    %mul3A_279 = arith.constant 13312 : i32
    %mul3A_280 = arith.muli %add3A, %mul3A_279 : i32
    %add3A_281 = arith.constant 8320 : i32
    %add3A_282 = arith.addi %mul3A_280, %add3A_281 : i32
    "tpu.region"() ({
      %run_scoped3A = tpu.sem_alloc : memref<!tpu.dma_semaphore, #tpu.memory_space<semaphore_mem>>
      %dma_start3A_449 = tpu.memref_slice %arg3[%add3A_282] : memref<425984xi32, #tpu.memory_space<hbm>> -> memref<832xi32, #tpu.memory_space<hbm>>
      %dma_start3A_450 = tpu.memref_slice %arg3[%add3A_282] : memref<425984xi32, #tpu.memory_space<hbm>> -> memref<832xi32, #tpu.memory_space<hbm>>
      tpu.enqueue_dma source(%dma_start3A_450 : memref<832xi32, #tpu.memory_space<hbm>>) target(%arg6 : memref<832xi32, #tpu.memory_space<vmem>>) target_semaphore(%run_scoped3A : memref<!tpu.dma_semaphore, #tpu.memory_space<semaphore_mem>>)
      %dma_wait3A_451 = tpu.memref_slice %arg3[%add3A_282] : memref<425984xi32, #tpu.memory_space<hbm>> -> memref<832xi32, #tpu.memory_space<hbm>>
      %dma_wait3A_452 = tpu.memref_slice %arg3[%add3A_282] : memref<425984xi32, #tpu.memory_space<hbm>> -> memref<832xi32, #tpu.memory_space<hbm>>
      tpu.wait_dma2 semaphore(%run_scoped3A : memref<!tpu.dma_semaphore, #tpu.memory_space<semaphore_mem>>) src(%dma_wait3A_452 : memref<832xi32, #tpu.memory_space<hbm>>) dst(%arg6 : memref<832xi32, #tpu.memory_space<vmem>>)
      tpu.yield
    }) : () -> ()
    %dma_start3A_283 = arith.constant 0 : i32
    %dma_start3A_284 = tpu.memref_slice %arg6[%dma_start3A_283] : memref<832xi32, #tpu.memory_space<vmem>> -> memref<416xi32, #tpu.memory_space<vmem>>
    %dma_start3A_285 = arith.constant 0 : i32
    %dma_start3A_286 = arith.constant 0 : i32
    %dma_start3A_287 = tpu.memref_slice %arg2[%dma_start3A_285, %dma_start3A_286] : memref<250000x128xf32, #tpu.memory_space<hbm>> -> memref<250000x128xf32, #tpu.memory_space<hbm>>
    tpu.enqueue_indirect_dma source(%dma_start3A_287 : memref<250000x128xf32, #tpu.memory_space<hbm>>) target(%arg7 : memref<416x128xf32, #tpu.memory_space<vmem>>) offsets(%dma_start3A_284 : memref<416xi32, #tpu.memory_space<vmem>>) semaphore(%arg11 : memref<!tpu.dma_semaphore, #tpu.memory_space<semaphore_mem>>)
    %dma_start3A_288 = arith.constant 416 : i32
    %dma_start3A_289 = tpu.memref_slice %arg6[%dma_start3A_288] : memref<832xi32, #tpu.memory_space<vmem>> -> memref<416xi32, #tpu.memory_space<vmem>>
    %dma_start3A_290 = arith.constant 0 : i32
    %dma_start3A_291 = arith.constant 0 : i32
    %dma_start3A_292 = tpu.memref_slice %arg2[%dma_start3A_290, %dma_start3A_291] : memref<250000x128xf32, #tpu.memory_space<hbm>> -> memref<250000x128xf32, #tpu.memory_space<hbm>>
    tpu.enqueue_indirect_dma source(%dma_start3A_292 : memref<250000x128xf32, #tpu.memory_space<hbm>>) target(%arg8 : memref<416x128xf32, #tpu.memory_space<vmem>>) offsets(%dma_start3A_289 : memref<416xi32, #tpu.memory_space<vmem>>) semaphore(%arg12 : memref<!tpu.dma_semaphore, #tpu.memory_space<semaphore_mem>>)
    %dma_start3A_293 = arith.constant 0 : i32
    %dma_start3A_294 = tpu.memref_slice %arg4[%dma_start3A_293] : memref<1000000xf32, #tpu.memory_space<hbm>> -> memref<1000000xf32, #tpu.memory_space<hbm>>
    tpu.enqueue_indirect_dma source(%dma_start3A_294 : memref<1000000xf32, #tpu.memory_space<hbm>>) target(%arg9 : memref<832xf32, #tpu.memory_space<vmem>>) offsets(%arg6 : memref<832xi32, #tpu.memory_space<vmem>>) semaphore(%arg13 : memref<!tpu.dma_semaphore, #tpu.memory_space<semaphore_mem>>)
    %dma_wait3A_295 = arith.constant 0 : i32
    %dma_wait3A_296 = tpu.memref_slice %arg6[%dma_wait3A_295] : memref<832xi32, #tpu.memory_space<vmem>> -> memref<416xi32, #tpu.memory_space<vmem>>
    %dma_wait3A_297 = arith.constant 0 : i32
    %dma_wait3A_298 = arith.constant 0 : i32
    %dma_wait3A_299 = tpu.memref_slice %arg2[%dma_wait3A_297, %dma_wait3A_298] : memref<250000x128xf32, #tpu.memory_space<hbm>> -> memref<250000x128xf32, #tpu.memory_space<hbm>>
    tpu.wait_indirect_dma semaphore(%arg11 : memref<!tpu.dma_semaphore, #tpu.memory_space<semaphore_mem>>) src(%dma_wait3A_299 : memref<250000x128xf32, #tpu.memory_space<hbm>>) dst(%arg7 : memref<416x128xf32, #tpu.memory_space<vmem>>)
    %dma_wait3A_300 = arith.constant 416 : i32
    %dma_wait3A_301 = tpu.memref_slice %arg6[%dma_wait3A_300] : memref<832xi32, #tpu.memory_space<vmem>> -> memref<416xi32, #tpu.memory_space<vmem>>
    %dma_wait3A_302 = arith.constant 0 : i32
    %dma_wait3A_303 = arith.constant 0 : i32
    %dma_wait3A_304 = tpu.memref_slice %arg2[%dma_wait3A_302, %dma_wait3A_303] : memref<250000x128xf32, #tpu.memory_space<hbm>> -> memref<250000x128xf32, #tpu.memory_space<hbm>>
    tpu.wait_indirect_dma semaphore(%arg12 : memref<!tpu.dma_semaphore, #tpu.memory_space<semaphore_mem>>) src(%dma_wait3A_304 : memref<250000x128xf32, #tpu.memory_space<hbm>>) dst(%arg8 : memref<416x128xf32, #tpu.memory_space<vmem>>)
    %dma_wait3A_305 = arith.constant 0 : i32
    %dma_wait3A_306 = tpu.memref_slice %arg4[%dma_wait3A_305] : memref<1000000xf32, #tpu.memory_space<hbm>> -> memref<1000000xf32, #tpu.memory_space<hbm>>
    tpu.wait_indirect_dma semaphore(%arg13 : memref<!tpu.dma_semaphore, #tpu.memory_space<semaphore_mem>>) src(%dma_wait3A_306 : memref<1000000xf32, #tpu.memory_space<hbm>>) dst(%arg9 : memref<832xf32, #tpu.memory_space<vmem>>)
    %mul3A_307 = arith.constant 13312 : i32
    %mul3A_308 = arith.muli %add3A, %mul3A_307 : i32
    %add3A_309 = arith.constant 9152 : i32
    %add3A_310 = arith.addi %mul3A_308, %add3A_309 : i32
    "tpu.region"() ({
      %run_scoped3A = tpu.sem_alloc : memref<!tpu.dma_semaphore, #tpu.memory_space<semaphore_mem>>
      %dma_start3A_449 = tpu.memref_slice %arg3[%add3A_310] : memref<425984xi32, #tpu.memory_space<hbm>> -> memref<832xi32, #tpu.memory_space<hbm>>
      %dma_start3A_450 = tpu.memref_slice %arg3[%add3A_310] : memref<425984xi32, #tpu.memory_space<hbm>> -> memref<832xi32, #tpu.memory_space<hbm>>
      tpu.enqueue_dma source(%dma_start3A_450 : memref<832xi32, #tpu.memory_space<hbm>>) target(%arg6 : memref<832xi32, #tpu.memory_space<vmem>>) target_semaphore(%run_scoped3A : memref<!tpu.dma_semaphore, #tpu.memory_space<semaphore_mem>>)
      %dma_wait3A_451 = tpu.memref_slice %arg3[%add3A_310] : memref<425984xi32, #tpu.memory_space<hbm>> -> memref<832xi32, #tpu.memory_space<hbm>>
      %dma_wait3A_452 = tpu.memref_slice %arg3[%add3A_310] : memref<425984xi32, #tpu.memory_space<hbm>> -> memref<832xi32, #tpu.memory_space<hbm>>
      tpu.wait_dma2 semaphore(%run_scoped3A : memref<!tpu.dma_semaphore, #tpu.memory_space<semaphore_mem>>) src(%dma_wait3A_452 : memref<832xi32, #tpu.memory_space<hbm>>) dst(%arg6 : memref<832xi32, #tpu.memory_space<vmem>>)
      tpu.yield
    }) : () -> ()
    %dma_start3A_311 = arith.constant 0 : i32
    %dma_start3A_312 = tpu.memref_slice %arg6[%dma_start3A_311] : memref<832xi32, #tpu.memory_space<vmem>> -> memref<416xi32, #tpu.memory_space<vmem>>
    %dma_start3A_313 = arith.constant 0 : i32
    %dma_start3A_314 = arith.constant 0 : i32
    %dma_start3A_315 = tpu.memref_slice %arg2[%dma_start3A_313, %dma_start3A_314] : memref<250000x128xf32, #tpu.memory_space<hbm>> -> memref<250000x128xf32, #tpu.memory_space<hbm>>
    tpu.enqueue_indirect_dma source(%dma_start3A_315 : memref<250000x128xf32, #tpu.memory_space<hbm>>) target(%arg7 : memref<416x128xf32, #tpu.memory_space<vmem>>) offsets(%dma_start3A_312 : memref<416xi32, #tpu.memory_space<vmem>>) semaphore(%arg11 : memref<!tpu.dma_semaphore, #tpu.memory_space<semaphore_mem>>)
    %dma_start3A_316 = arith.constant 416 : i32
    %dma_start3A_317 = tpu.memref_slice %arg6[%dma_start3A_316] : memref<832xi32, #tpu.memory_space<vmem>> -> memref<416xi32, #tpu.memory_space<vmem>>
    %dma_start3A_318 = arith.constant 0 : i32
    %dma_start3A_319 = arith.constant 0 : i32
    %dma_start3A_320 = tpu.memref_slice %arg2[%dma_start3A_318, %dma_start3A_319] : memref<250000x128xf32, #tpu.memory_space<hbm>> -> memref<250000x128xf32, #tpu.memory_space<hbm>>
    tpu.enqueue_indirect_dma source(%dma_start3A_320 : memref<250000x128xf32, #tpu.memory_space<hbm>>) target(%arg8 : memref<416x128xf32, #tpu.memory_space<vmem>>) offsets(%dma_start3A_317 : memref<416xi32, #tpu.memory_space<vmem>>) semaphore(%arg12 : memref<!tpu.dma_semaphore, #tpu.memory_space<semaphore_mem>>)
    %dma_start3A_321 = arith.constant 0 : i32
    %dma_start3A_322 = tpu.memref_slice %arg4[%dma_start3A_321] : memref<1000000xf32, #tpu.memory_space<hbm>> -> memref<1000000xf32, #tpu.memory_space<hbm>>
    tpu.enqueue_indirect_dma source(%dma_start3A_322 : memref<1000000xf32, #tpu.memory_space<hbm>>) target(%arg9 : memref<832xf32, #tpu.memory_space<vmem>>) offsets(%arg6 : memref<832xi32, #tpu.memory_space<vmem>>) semaphore(%arg13 : memref<!tpu.dma_semaphore, #tpu.memory_space<semaphore_mem>>)
    %dma_wait3A_323 = arith.constant 0 : i32
    %dma_wait3A_324 = tpu.memref_slice %arg6[%dma_wait3A_323] : memref<832xi32, #tpu.memory_space<vmem>> -> memref<416xi32, #tpu.memory_space<vmem>>
    %dma_wait3A_325 = arith.constant 0 : i32
    %dma_wait3A_326 = arith.constant 0 : i32
    %dma_wait3A_327 = tpu.memref_slice %arg2[%dma_wait3A_325, %dma_wait3A_326] : memref<250000x128xf32, #tpu.memory_space<hbm>> -> memref<250000x128xf32, #tpu.memory_space<hbm>>
    tpu.wait_indirect_dma semaphore(%arg11 : memref<!tpu.dma_semaphore, #tpu.memory_space<semaphore_mem>>) src(%dma_wait3A_327 : memref<250000x128xf32, #tpu.memory_space<hbm>>) dst(%arg7 : memref<416x128xf32, #tpu.memory_space<vmem>>)
    %dma_wait3A_328 = arith.constant 416 : i32
    %dma_wait3A_329 = tpu.memref_slice %arg6[%dma_wait3A_328] : memref<832xi32, #tpu.memory_space<vmem>> -> memref<416xi32, #tpu.memory_space<vmem>>
    %dma_wait3A_330 = arith.constant 0 : i32
    %dma_wait3A_331 = arith.constant 0 : i32
    %dma_wait3A_332 = tpu.memref_slice %arg2[%dma_wait3A_330, %dma_wait3A_331] : memref<250000x128xf32, #tpu.memory_space<hbm>> -> memref<250000x128xf32, #tpu.memory_space<hbm>>
    tpu.wait_indirect_dma semaphore(%arg12 : memref<!tpu.dma_semaphore, #tpu.memory_space<semaphore_mem>>) src(%dma_wait3A_332 : memref<250000x128xf32, #tpu.memory_space<hbm>>) dst(%arg8 : memref<416x128xf32, #tpu.memory_space<vmem>>)
    %dma_wait3A_333 = arith.constant 0 : i32
    %dma_wait3A_334 = tpu.memref_slice %arg4[%dma_wait3A_333] : memref<1000000xf32, #tpu.memory_space<hbm>> -> memref<1000000xf32, #tpu.memory_space<hbm>>
    tpu.wait_indirect_dma semaphore(%arg13 : memref<!tpu.dma_semaphore, #tpu.memory_space<semaphore_mem>>) src(%dma_wait3A_334 : memref<1000000xf32, #tpu.memory_space<hbm>>) dst(%arg9 : memref<832xf32, #tpu.memory_space<vmem>>)
    %mul3A_335 = arith.constant 13312 : i32
    %mul3A_336 = arith.muli %add3A, %mul3A_335 : i32
    %add3A_337 = arith.constant 9984 : i32
    %add3A_338 = arith.addi %mul3A_336, %add3A_337 : i32
    "tpu.region"() ({
      %run_scoped3A = tpu.sem_alloc : memref<!tpu.dma_semaphore, #tpu.memory_space<semaphore_mem>>
      %dma_start3A_449 = tpu.memref_slice %arg3[%add3A_338] : memref<425984xi32, #tpu.memory_space<hbm>> -> memref<832xi32, #tpu.memory_space<hbm>>
      %dma_start3A_450 = tpu.memref_slice %arg3[%add3A_338] : memref<425984xi32, #tpu.memory_space<hbm>> -> memref<832xi32, #tpu.memory_space<hbm>>
      tpu.enqueue_dma source(%dma_start3A_450 : memref<832xi32, #tpu.memory_space<hbm>>) target(%arg6 : memref<832xi32, #tpu.memory_space<vmem>>) target_semaphore(%run_scoped3A : memref<!tpu.dma_semaphore, #tpu.memory_space<semaphore_mem>>)
      %dma_wait3A_451 = tpu.memref_slice %arg3[%add3A_338] : memref<425984xi32, #tpu.memory_space<hbm>> -> memref<832xi32, #tpu.memory_space<hbm>>
      %dma_wait3A_452 = tpu.memref_slice %arg3[%add3A_338] : memref<425984xi32, #tpu.memory_space<hbm>> -> memref<832xi32, #tpu.memory_space<hbm>>
      tpu.wait_dma2 semaphore(%run_scoped3A : memref<!tpu.dma_semaphore, #tpu.memory_space<semaphore_mem>>) src(%dma_wait3A_452 : memref<832xi32, #tpu.memory_space<hbm>>) dst(%arg6 : memref<832xi32, #tpu.memory_space<vmem>>)
      tpu.yield
    }) : () -> ()
    %dma_start3A_339 = arith.constant 0 : i32
    %dma_start3A_340 = tpu.memref_slice %arg6[%dma_start3A_339] : memref<832xi32, #tpu.memory_space<vmem>> -> memref<416xi32, #tpu.memory_space<vmem>>
    %dma_start3A_341 = arith.constant 0 : i32
    %dma_start3A_342 = arith.constant 0 : i32
    %dma_start3A_343 = tpu.memref_slice %arg2[%dma_start3A_341, %dma_start3A_342] : memref<250000x128xf32, #tpu.memory_space<hbm>> -> memref<250000x128xf32, #tpu.memory_space<hbm>>
    tpu.enqueue_indirect_dma source(%dma_start3A_343 : memref<250000x128xf32, #tpu.memory_space<hbm>>) target(%arg7 : memref<416x128xf32, #tpu.memory_space<vmem>>) offsets(%dma_start3A_340 : memref<416xi32, #tpu.memory_space<vmem>>) semaphore(%arg11 : memref<!tpu.dma_semaphore, #tpu.memory_space<semaphore_mem>>)
    %dma_start3A_344 = arith.constant 416 : i32
    %dma_start3A_345 = tpu.memref_slice %arg6[%dma_start3A_344] : memref<832xi32, #tpu.memory_space<vmem>> -> memref<416xi32, #tpu.memory_space<vmem>>
    %dma_start3A_346 = arith.constant 0 : i32
    %dma_start3A_347 = arith.constant 0 : i32
    %dma_start3A_348 = tpu.memref_slice %arg2[%dma_start3A_346, %dma_start3A_347] : memref<250000x128xf32, #tpu.memory_space<hbm>> -> memref<250000x128xf32, #tpu.memory_space<hbm>>
    tpu.enqueue_indirect_dma source(%dma_start3A_348 : memref<250000x128xf32, #tpu.memory_space<hbm>>) target(%arg8 : memref<416x128xf32, #tpu.memory_space<vmem>>) offsets(%dma_start3A_345 : memref<416xi32, #tpu.memory_space<vmem>>) semaphore(%arg12 : memref<!tpu.dma_semaphore, #tpu.memory_space<semaphore_mem>>)
    %dma_start3A_349 = arith.constant 0 : i32
    %dma_start3A_350 = tpu.memref_slice %arg4[%dma_start3A_349] : memref<1000000xf32, #tpu.memory_space<hbm>> -> memref<1000000xf32, #tpu.memory_space<hbm>>
    tpu.enqueue_indirect_dma source(%dma_start3A_350 : memref<1000000xf32, #tpu.memory_space<hbm>>) target(%arg9 : memref<832xf32, #tpu.memory_space<vmem>>) offsets(%arg6 : memref<832xi32, #tpu.memory_space<vmem>>) semaphore(%arg13 : memref<!tpu.dma_semaphore, #tpu.memory_space<semaphore_mem>>)
    %dma_wait3A_351 = arith.constant 0 : i32
    %dma_wait3A_352 = tpu.memref_slice %arg6[%dma_wait3A_351] : memref<832xi32, #tpu.memory_space<vmem>> -> memref<416xi32, #tpu.memory_space<vmem>>
    %dma_wait3A_353 = arith.constant 0 : i32
    %dma_wait3A_354 = arith.constant 0 : i32
    %dma_wait3A_355 = tpu.memref_slice %arg2[%dma_wait3A_353, %dma_wait3A_354] : memref<250000x128xf32, #tpu.memory_space<hbm>> -> memref<250000x128xf32, #tpu.memory_space<hbm>>
    tpu.wait_indirect_dma semaphore(%arg11 : memref<!tpu.dma_semaphore, #tpu.memory_space<semaphore_mem>>) src(%dma_wait3A_355 : memref<250000x128xf32, #tpu.memory_space<hbm>>) dst(%arg7 : memref<416x128xf32, #tpu.memory_space<vmem>>)
    %dma_wait3A_356 = arith.constant 416 : i32
    %dma_wait3A_357 = tpu.memref_slice %arg6[%dma_wait3A_356] : memref<832xi32, #tpu.memory_space<vmem>> -> memref<416xi32, #tpu.memory_space<vmem>>
    %dma_wait3A_358 = arith.constant 0 : i32
    %dma_wait3A_359 = arith.constant 0 : i32
    %dma_wait3A_360 = tpu.memref_slice %arg2[%dma_wait3A_358, %dma_wait3A_359] : memref<250000x128xf32, #tpu.memory_space<hbm>> -> memref<250000x128xf32, #tpu.memory_space<hbm>>
    tpu.wait_indirect_dma semaphore(%arg12 : memref<!tpu.dma_semaphore, #tpu.memory_space<semaphore_mem>>) src(%dma_wait3A_360 : memref<250000x128xf32, #tpu.memory_space<hbm>>) dst(%arg8 : memref<416x128xf32, #tpu.memory_space<vmem>>)
    %dma_wait3A_361 = arith.constant 0 : i32
    %dma_wait3A_362 = tpu.memref_slice %arg4[%dma_wait3A_361] : memref<1000000xf32, #tpu.memory_space<hbm>> -> memref<1000000xf32, #tpu.memory_space<hbm>>
    tpu.wait_indirect_dma semaphore(%arg13 : memref<!tpu.dma_semaphore, #tpu.memory_space<semaphore_mem>>) src(%dma_wait3A_362 : memref<1000000xf32, #tpu.memory_space<hbm>>) dst(%arg9 : memref<832xf32, #tpu.memory_space<vmem>>)
    %mul3A_363 = arith.constant 13312 : i32
    %mul3A_364 = arith.muli %add3A, %mul3A_363 : i32
    %add3A_365 = arith.constant 10816 : i32
    %add3A_366 = arith.addi %mul3A_364, %add3A_365 : i32
    "tpu.region"() ({
      %run_scoped3A = tpu.sem_alloc : memref<!tpu.dma_semaphore, #tpu.memory_space<semaphore_mem>>
      %dma_start3A_449 = tpu.memref_slice %arg3[%add3A_366] : memref<425984xi32, #tpu.memory_space<hbm>> -> memref<832xi32, #tpu.memory_space<hbm>>
      %dma_start3A_450 = tpu.memref_slice %arg3[%add3A_366] : memref<425984xi32, #tpu.memory_space<hbm>> -> memref<832xi32, #tpu.memory_space<hbm>>
      tpu.enqueue_dma source(%dma_start3A_450 : memref<832xi32, #tpu.memory_space<hbm>>) target(%arg6 : memref<832xi32, #tpu.memory_space<vmem>>) target_semaphore(%run_scoped3A : memref<!tpu.dma_semaphore, #tpu.memory_space<semaphore_mem>>)
      %dma_wait3A_451 = tpu.memref_slice %arg3[%add3A_366] : memref<425984xi32, #tpu.memory_space<hbm>> -> memref<832xi32, #tpu.memory_space<hbm>>
      %dma_wait3A_452 = tpu.memref_slice %arg3[%add3A_366] : memref<425984xi32, #tpu.memory_space<hbm>> -> memref<832xi32, #tpu.memory_space<hbm>>
      tpu.wait_dma2 semaphore(%run_scoped3A : memref<!tpu.dma_semaphore, #tpu.memory_space<semaphore_mem>>) src(%dma_wait3A_452 : memref<832xi32, #tpu.memory_space<hbm>>) dst(%arg6 : memref<832xi32, #tpu.memory_space<vmem>>)
      tpu.yield
    }) : () -> ()
    %dma_start3A_367 = arith.constant 0 : i32
    %dma_start3A_368 = tpu.memref_slice %arg6[%dma_start3A_367] : memref<832xi32, #tpu.memory_space<vmem>> -> memref<416xi32, #tpu.memory_space<vmem>>
    %dma_start3A_369 = arith.constant 0 : i32
    %dma_start3A_370 = arith.constant 0 : i32
    %dma_start3A_371 = tpu.memref_slice %arg2[%dma_start3A_369, %dma_start3A_370] : memref<250000x128xf32, #tpu.memory_space<hbm>> -> memref<250000x128xf32, #tpu.memory_space<hbm>>
    tpu.enqueue_indirect_dma source(%dma_start3A_371 : memref<250000x128xf32, #tpu.memory_space<hbm>>) target(%arg7 : memref<416x128xf32, #tpu.memory_space<vmem>>) offsets(%dma_start3A_368 : memref<416xi32, #tpu.memory_space<vmem>>) semaphore(%arg11 : memref<!tpu.dma_semaphore, #tpu.memory_space<semaphore_mem>>)
    %dma_start3A_372 = arith.constant 416 : i32
    %dma_start3A_373 = tpu.memref_slice %arg6[%dma_start3A_372] : memref<832xi32, #tpu.memory_space<vmem>> -> memref<416xi32, #tpu.memory_space<vmem>>
    %dma_start3A_374 = arith.constant 0 : i32
    %dma_start3A_375 = arith.constant 0 : i32
    %dma_start3A_376 = tpu.memref_slice %arg2[%dma_start3A_374, %dma_start3A_375] : memref<250000x128xf32, #tpu.memory_space<hbm>> -> memref<250000x128xf32, #tpu.memory_space<hbm>>
    tpu.enqueue_indirect_dma source(%dma_start3A_376 : memref<250000x128xf32, #tpu.memory_space<hbm>>) target(%arg8 : memref<416x128xf32, #tpu.memory_space<vmem>>) offsets(%dma_start3A_373 : memref<416xi32, #tpu.memory_space<vmem>>) semaphore(%arg12 : memref<!tpu.dma_semaphore, #tpu.memory_space<semaphore_mem>>)
    %dma_start3A_377 = arith.constant 0 : i32
    %dma_start3A_378 = tpu.memref_slice %arg4[%dma_start3A_377] : memref<1000000xf32, #tpu.memory_space<hbm>> -> memref<1000000xf32, #tpu.memory_space<hbm>>
    tpu.enqueue_indirect_dma source(%dma_start3A_378 : memref<1000000xf32, #tpu.memory_space<hbm>>) target(%arg9 : memref<832xf32, #tpu.memory_space<vmem>>) offsets(%arg6 : memref<832xi32, #tpu.memory_space<vmem>>) semaphore(%arg13 : memref<!tpu.dma_semaphore, #tpu.memory_space<semaphore_mem>>)
    %dma_wait3A_379 = arith.constant 0 : i32
    %dma_wait3A_380 = tpu.memref_slice %arg6[%dma_wait3A_379] : memref<832xi32, #tpu.memory_space<vmem>> -> memref<416xi32, #tpu.memory_space<vmem>>
    %dma_wait3A_381 = arith.constant 0 : i32
    %dma_wait3A_382 = arith.constant 0 : i32
    %dma_wait3A_383 = tpu.memref_slice %arg2[%dma_wait3A_381, %dma_wait3A_382] : memref<250000x128xf32, #tpu.memory_space<hbm>> -> memref<250000x128xf32, #tpu.memory_space<hbm>>
    tpu.wait_indirect_dma semaphore(%arg11 : memref<!tpu.dma_semaphore, #tpu.memory_space<semaphore_mem>>) src(%dma_wait3A_383 : memref<250000x128xf32, #tpu.memory_space<hbm>>) dst(%arg7 : memref<416x128xf32, #tpu.memory_space<vmem>>)
    %dma_wait3A_384 = arith.constant 416 : i32
    %dma_wait3A_385 = tpu.memref_slice %arg6[%dma_wait3A_384] : memref<832xi32, #tpu.memory_space<vmem>> -> memref<416xi32, #tpu.memory_space<vmem>>
    %dma_wait3A_386 = arith.constant 0 : i32
    %dma_wait3A_387 = arith.constant 0 : i32
    %dma_wait3A_388 = tpu.memref_slice %arg2[%dma_wait3A_386, %dma_wait3A_387] : memref<250000x128xf32, #tpu.memory_space<hbm>> -> memref<250000x128xf32, #tpu.memory_space<hbm>>
    tpu.wait_indirect_dma semaphore(%arg12 : memref<!tpu.dma_semaphore, #tpu.memory_space<semaphore_mem>>) src(%dma_wait3A_388 : memref<250000x128xf32, #tpu.memory_space<hbm>>) dst(%arg8 : memref<416x128xf32, #tpu.memory_space<vmem>>)
    %dma_wait3A_389 = arith.constant 0 : i32
    %dma_wait3A_390 = tpu.memref_slice %arg4[%dma_wait3A_389] : memref<1000000xf32, #tpu.memory_space<hbm>> -> memref<1000000xf32, #tpu.memory_space<hbm>>
    tpu.wait_indirect_dma semaphore(%arg13 : memref<!tpu.dma_semaphore, #tpu.memory_space<semaphore_mem>>) src(%dma_wait3A_390 : memref<1000000xf32, #tpu.memory_space<hbm>>) dst(%arg9 : memref<832xf32, #tpu.memory_space<vmem>>)
    %mul3A_391 = arith.constant 13312 : i32
    %mul3A_392 = arith.muli %add3A, %mul3A_391 : i32
    %add3A_393 = arith.constant 11648 : i32
    %add3A_394 = arith.addi %mul3A_392, %add3A_393 : i32
    "tpu.region"() ({
      %run_scoped3A = tpu.sem_alloc : memref<!tpu.dma_semaphore, #tpu.memory_space<semaphore_mem>>
      %dma_start3A_449 = tpu.memref_slice %arg3[%add3A_394] : memref<425984xi32, #tpu.memory_space<hbm>> -> memref<832xi32, #tpu.memory_space<hbm>>
      %dma_start3A_450 = tpu.memref_slice %arg3[%add3A_394] : memref<425984xi32, #tpu.memory_space<hbm>> -> memref<832xi32, #tpu.memory_space<hbm>>
      tpu.enqueue_dma source(%dma_start3A_450 : memref<832xi32, #tpu.memory_space<hbm>>) target(%arg6 : memref<832xi32, #tpu.memory_space<vmem>>) target_semaphore(%run_scoped3A : memref<!tpu.dma_semaphore, #tpu.memory_space<semaphore_mem>>)
      %dma_wait3A_451 = tpu.memref_slice %arg3[%add3A_394] : memref<425984xi32, #tpu.memory_space<hbm>> -> memref<832xi32, #tpu.memory_space<hbm>>
      %dma_wait3A_452 = tpu.memref_slice %arg3[%add3A_394] : memref<425984xi32, #tpu.memory_space<hbm>> -> memref<832xi32, #tpu.memory_space<hbm>>
      tpu.wait_dma2 semaphore(%run_scoped3A : memref<!tpu.dma_semaphore, #tpu.memory_space<semaphore_mem>>) src(%dma_wait3A_452 : memref<832xi32, #tpu.memory_space<hbm>>) dst(%arg6 : memref<832xi32, #tpu.memory_space<vmem>>)
      tpu.yield
    }) : () -> ()
    %dma_start3A_395 = arith.constant 0 : i32
    %dma_start3A_396 = tpu.memref_slice %arg6[%dma_start3A_395] : memref<832xi32, #tpu.memory_space<vmem>> -> memref<416xi32, #tpu.memory_space<vmem>>
    %dma_start3A_397 = arith.constant 0 : i32
    %dma_start3A_398 = arith.constant 0 : i32
    %dma_start3A_399 = tpu.memref_slice %arg2[%dma_start3A_397, %dma_start3A_398] : memref<250000x128xf32, #tpu.memory_space<hbm>> -> memref<250000x128xf32, #tpu.memory_space<hbm>>
    tpu.enqueue_indirect_dma source(%dma_start3A_399 : memref<250000x128xf32, #tpu.memory_space<hbm>>) target(%arg7 : memref<416x128xf32, #tpu.memory_space<vmem>>) offsets(%dma_start3A_396 : memref<416xi32, #tpu.memory_space<vmem>>) semaphore(%arg11 : memref<!tpu.dma_semaphore, #tpu.memory_space<semaphore_mem>>)
    %dma_start3A_400 = arith.constant 416 : i32
    %dma_start3A_401 = tpu.memref_slice %arg6[%dma_start3A_400] : memref<832xi32, #tpu.memory_space<vmem>> -> memref<416xi32, #tpu.memory_space<vmem>>
    %dma_start3A_402 = arith.constant 0 : i32
    %dma_start3A_403 = arith.constant 0 : i32
    %dma_start3A_404 = tpu.memref_slice %arg2[%dma_start3A_402, %dma_start3A_403] : memref<250000x128xf32, #tpu.memory_space<hbm>> -> memref<250000x128xf32, #tpu.memory_space<hbm>>
    tpu.enqueue_indirect_dma source(%dma_start3A_404 : memref<250000x128xf32, #tpu.memory_space<hbm>>) target(%arg8 : memref<416x128xf32, #tpu.memory_space<vmem>>) offsets(%dma_start3A_401 : memref<416xi32, #tpu.memory_space<vmem>>) semaphore(%arg12 : memref<!tpu.dma_semaphore, #tpu.memory_space<semaphore_mem>>)
    %dma_start3A_405 = arith.constant 0 : i32
    %dma_start3A_406 = tpu.memref_slice %arg4[%dma_start3A_405] : memref<1000000xf32, #tpu.memory_space<hbm>> -> memref<1000000xf32, #tpu.memory_space<hbm>>
    tpu.enqueue_indirect_dma source(%dma_start3A_406 : memref<1000000xf32, #tpu.memory_space<hbm>>) target(%arg9 : memref<832xf32, #tpu.memory_space<vmem>>) offsets(%arg6 : memref<832xi32, #tpu.memory_space<vmem>>) semaphore(%arg13 : memref<!tpu.dma_semaphore, #tpu.memory_space<semaphore_mem>>)
    %dma_wait3A_407 = arith.constant 0 : i32
    %dma_wait3A_408 = tpu.memref_slice %arg6[%dma_wait3A_407] : memref<832xi32, #tpu.memory_space<vmem>> -> memref<416xi32, #tpu.memory_space<vmem>>
    %dma_wait3A_409 = arith.constant 0 : i32
    %dma_wait3A_410 = arith.constant 0 : i32
    %dma_wait3A_411 = tpu.memref_slice %arg2[%dma_wait3A_409, %dma_wait3A_410] : memref<250000x128xf32, #tpu.memory_space<hbm>> -> memref<250000x128xf32, #tpu.memory_space<hbm>>
    tpu.wait_indirect_dma semaphore(%arg11 : memref<!tpu.dma_semaphore, #tpu.memory_space<semaphore_mem>>) src(%dma_wait3A_411 : memref<250000x128xf32, #tpu.memory_space<hbm>>) dst(%arg7 : memref<416x128xf32, #tpu.memory_space<vmem>>)
    %dma_wait3A_412 = arith.constant 416 : i32
    %dma_wait3A_413 = tpu.memref_slice %arg6[%dma_wait3A_412] : memref<832xi32, #tpu.memory_space<vmem>> -> memref<416xi32, #tpu.memory_space<vmem>>
    %dma_wait3A_414 = arith.constant 0 : i32
    %dma_wait3A_415 = arith.constant 0 : i32
    %dma_wait3A_416 = tpu.memref_slice %arg2[%dma_wait3A_414, %dma_wait3A_415] : memref<250000x128xf32, #tpu.memory_space<hbm>> -> memref<250000x128xf32, #tpu.memory_space<hbm>>
    tpu.wait_indirect_dma semaphore(%arg12 : memref<!tpu.dma_semaphore, #tpu.memory_space<semaphore_mem>>) src(%dma_wait3A_416 : memref<250000x128xf32, #tpu.memory_space<hbm>>) dst(%arg8 : memref<416x128xf32, #tpu.memory_space<vmem>>)
    %dma_wait3A_417 = arith.constant 0 : i32
    %dma_wait3A_418 = tpu.memref_slice %arg4[%dma_wait3A_417] : memref<1000000xf32, #tpu.memory_space<hbm>> -> memref<1000000xf32, #tpu.memory_space<hbm>>
    tpu.wait_indirect_dma semaphore(%arg13 : memref<!tpu.dma_semaphore, #tpu.memory_space<semaphore_mem>>) src(%dma_wait3A_418 : memref<1000000xf32, #tpu.memory_space<hbm>>) dst(%arg9 : memref<832xf32, #tpu.memory_space<vmem>>)
    %mul3A_419 = arith.constant 13312 : i32
    %mul3A_420 = arith.muli %add3A, %mul3A_419 : i32
    %add3A_421 = arith.constant 12480 : i32
    %add3A_422 = arith.addi %mul3A_420, %add3A_421 : i32
    "tpu.region"() ({
      %run_scoped3A = tpu.sem_alloc : memref<!tpu.dma_semaphore, #tpu.memory_space<semaphore_mem>>
      %dma_start3A_449 = tpu.memref_slice %arg3[%add3A_422] : memref<425984xi32, #tpu.memory_space<hbm>> -> memref<832xi32, #tpu.memory_space<hbm>>
      %dma_start3A_450 = tpu.memref_slice %arg3[%add3A_422] : memref<425984xi32, #tpu.memory_space<hbm>> -> memref<832xi32, #tpu.memory_space<hbm>>
      tpu.enqueue_dma source(%dma_start3A_450 : memref<832xi32, #tpu.memory_space<hbm>>) target(%arg6 : memref<832xi32, #tpu.memory_space<vmem>>) target_semaphore(%run_scoped3A : memref<!tpu.dma_semaphore, #tpu.memory_space<semaphore_mem>>)
      %dma_wait3A_451 = tpu.memref_slice %arg3[%add3A_422] : memref<425984xi32, #tpu.memory_space<hbm>> -> memref<832xi32, #tpu.memory_space<hbm>>
      %dma_wait3A_452 = tpu.memref_slice %arg3[%add3A_422] : memref<425984xi32, #tpu.memory_space<hbm>> -> memref<832xi32, #tpu.memory_space<hbm>>
      tpu.wait_dma2 semaphore(%run_scoped3A : memref<!tpu.dma_semaphore, #tpu.memory_space<semaphore_mem>>) src(%dma_wait3A_452 : memref<832xi32, #tpu.memory_space<hbm>>) dst(%arg6 : memref<832xi32, #tpu.memory_space<vmem>>)
      tpu.yield
    }) : () -> ()
    %dma_start3A_423 = arith.constant 0 : i32
    %dma_start3A_424 = tpu.memref_slice %arg6[%dma_start3A_423] : memref<832xi32, #tpu.memory_space<vmem>> -> memref<416xi32, #tpu.memory_space<vmem>>
    %dma_start3A_425 = arith.constant 0 : i32
    %dma_start3A_426 = arith.constant 0 : i32
    %dma_start3A_427 = tpu.memref_slice %arg2[%dma_start3A_425, %dma_start3A_426] : memref<250000x128xf32, #tpu.memory_space<hbm>> -> memref<250000x128xf32, #tpu.memory_space<hbm>>
    tpu.enqueue_indirect_dma source(%dma_start3A_427 : memref<250000x128xf32, #tpu.memory_space<hbm>>) target(%arg7 : memref<416x128xf32, #tpu.memory_space<vmem>>) offsets(%dma_start3A_424 : memref<416xi32, #tpu.memory_space<vmem>>) semaphore(%arg11 : memref<!tpu.dma_semaphore, #tpu.memory_space<semaphore_mem>>)
    %dma_start3A_428 = arith.constant 416 : i32
    %dma_start3A_429 = tpu.memref_slice %arg6[%dma_start3A_428] : memref<832xi32, #tpu.memory_space<vmem>> -> memref<416xi32, #tpu.memory_space<vmem>>
    %dma_start3A_430 = arith.constant 0 : i32
    %dma_start3A_431 = arith.constant 0 : i32
    %dma_start3A_432 = tpu.memref_slice %arg2[%dma_start3A_430, %dma_start3A_431] : memref<250000x128xf32, #tpu.memory_space<hbm>> -> memref<250000x128xf32, #tpu.memory_space<hbm>>
    tpu.enqueue_indirect_dma source(%dma_start3A_432 : memref<250000x128xf32, #tpu.memory_space<hbm>>) target(%arg8 : memref<416x128xf32, #tpu.memory_space<vmem>>) offsets(%dma_start3A_429 : memref<416xi32, #tpu.memory_space<vmem>>) semaphore(%arg12 : memref<!tpu.dma_semaphore, #tpu.memory_space<semaphore_mem>>)
    %dma_start3A_433 = arith.constant 0 : i32
    %dma_start3A_434 = tpu.memref_slice %arg4[%dma_start3A_433] : memref<1000000xf32, #tpu.memory_space<hbm>> -> memref<1000000xf32, #tpu.memory_space<hbm>>
    tpu.enqueue_indirect_dma source(%dma_start3A_434 : memref<1000000xf32, #tpu.memory_space<hbm>>) target(%arg9 : memref<832xf32, #tpu.memory_space<vmem>>) offsets(%arg6 : memref<832xi32, #tpu.memory_space<vmem>>) semaphore(%arg13 : memref<!tpu.dma_semaphore, #tpu.memory_space<semaphore_mem>>)
    %dma_wait3A_435 = arith.constant 0 : i32
    %dma_wait3A_436 = tpu.memref_slice %arg6[%dma_wait3A_435] : memref<832xi32, #tpu.memory_space<vmem>> -> memref<416xi32, #tpu.memory_space<vmem>>
    %dma_wait3A_437 = arith.constant 0 : i32
    %dma_wait3A_438 = arith.constant 0 : i32
    %dma_wait3A_439 = tpu.memref_slice %arg2[%dma_wait3A_437, %dma_wait3A_438] : memref<250000x128xf32, #tpu.memory_space<hbm>> -> memref<250000x128xf32, #tpu.memory_space<hbm>>
    tpu.wait_indirect_dma semaphore(%arg11 : memref<!tpu.dma_semaphore, #tpu.memory_space<semaphore_mem>>) src(%dma_wait3A_439 : memref<250000x128xf32, #tpu.memory_space<hbm>>) dst(%arg7 : memref<416x128xf32, #tpu.memory_space<vmem>>)
    %dma_wait3A_440 = arith.constant 416 : i32
    %dma_wait3A_441 = tpu.memref_slice %arg6[%dma_wait3A_440] : memref<832xi32, #tpu.memory_space<vmem>> -> memref<416xi32, #tpu.memory_space<vmem>>
    %dma_wait3A_442 = arith.constant 0 : i32
    %dma_wait3A_443 = arith.constant 0 : i32
    %dma_wait3A_444 = tpu.memref_slice %arg2[%dma_wait3A_442, %dma_wait3A_443] : memref<250000x128xf32, #tpu.memory_space<hbm>> -> memref<250000x128xf32, #tpu.memory_space<hbm>>
    tpu.wait_indirect_dma semaphore(%arg12 : memref<!tpu.dma_semaphore, #tpu.memory_space<semaphore_mem>>) src(%dma_wait3A_444 : memref<250000x128xf32, #tpu.memory_space<hbm>>) dst(%arg8 : memref<416x128xf32, #tpu.memory_space<vmem>>)
    %dma_wait3A_445 = arith.constant 0 : i32
    %dma_wait3A_446 = tpu.memref_slice %arg4[%dma_wait3A_445] : memref<1000000xf32, #tpu.memory_space<hbm>> -> memref<1000000xf32, #tpu.memory_space<hbm>>
    tpu.wait_indirect_dma semaphore(%arg13 : memref<!tpu.dma_semaphore, #tpu.memory_space<semaphore_mem>>) src(%dma_wait3A_446 : memref<1000000xf32, #tpu.memory_space<hbm>>) dst(%arg9 : memref<832xf32, #tpu.memory_space<vmem>>)
    %mul3A_447 = arith.constant 512 : i32
    %mul3A_448 = arith.muli %add3A, %mul3A_447 : i32
    "tpu.region"() ({
      %run_scoped3A = tpu.sem_alloc : memref<!tpu.dma_semaphore, #tpu.memory_space<semaphore_mem>>
      %dma_start3A_449 = tpu.memref_slice %arg5[%mul3A_448] : memref<16384xf32, #tpu.memory_space<hbm>> -> memref<512xf32, #tpu.memory_space<hbm>>
      %dma_start3A_450 = tpu.memref_slice %arg5[%mul3A_448] : memref<16384xf32, #tpu.memory_space<hbm>> -> memref<512xf32, #tpu.memory_space<hbm>>
      tpu.enqueue_dma source(%arg10 : memref<512xf32, #tpu.memory_space<vmem>>) target(%dma_start3A_450 : memref<512xf32, #tpu.memory_space<hbm>>) target_semaphore(%run_scoped3A : memref<!tpu.dma_semaphore, #tpu.memory_space<semaphore_mem>>)
      %dma_wait3A_451 = tpu.memref_slice %arg5[%mul3A_448] : memref<16384xf32, #tpu.memory_space<hbm>> -> memref<512xf32, #tpu.memory_space<hbm>>
      %dma_wait3A_452 = tpu.memref_slice %arg5[%mul3A_448] : memref<16384xf32, #tpu.memory_space<hbm>> -> memref<512xf32, #tpu.memory_space<hbm>>
      tpu.wait_dma2 semaphore(%run_scoped3A : memref<!tpu.dma_semaphore, #tpu.memory_space<semaphore_mem>>) src(%arg10 : memref<512xf32, #tpu.memory_space<vmem>>) dst(%dma_wait3A_452 : memref<512xf32, #tpu.memory_space<hbm>>)
      tpu.yield
    }) : () -> ()
    return
  }
}

</mosaic_0001>

<sc_bundles>
// kernel: _call.3.cloned.1.call-start
scs
__scs_entry_jumppad:
0x0: {  	(pc) =	sbr.rel $0x88, $3  }
0x1: {  	(tag) =	ssettag $0x0;
	lr =	simm.s32 $0x1  }
0x2: {  	[smem:$0x3F9E] =	sst lr;
	_ =	strace $0xD0000000  }
0x3: {  	_ = 	snop  }
0x4: {  	_ = 	snop  }
0x5: {  	_ = 	snop  }
0x6: {  	_ = 	snop  }
0x7: {  	_ = 	snop  }
__scs_overlays_trampoline_lowered:
0x8: {  	[smem:$0x3FAD] =	sst s0  }
0x9: {  	[smem:$0x3FAE] =	sst s1  }
0xa: {  	[smem:$0x3FAF] =	sst s2  }
0xb: {  	[smem:$0x3FB0] =	sst s3  }
0xc: {  	[smem:$0x3FB1] =	sst s4  }
0xd: {  	[smem:$0x3FB2] =	sst s5  }
0xe: {  	[smem:$0x3FB3] =	sst s6  }
0xf: {  	[smem:$0x3FB4] =	sst s7  }
0x10: {  	[smem:$0x3FB5] =	sst s8  }
0x11: {  	[smem:$0x3FB6] =	sst s9;
	s0 =	simm.s32 @!p0 $0x0  }
0x12: {  	s1 =	sld [smem:$0x3F9C];
	s0 =	simm.s32 @p0 $0x1  }
0x13: {  	[smem:$0x3FB7] =	sst s0;
	s0 =	simm.s32 @!p1 $0x0  }
0x14: {  	s2 =	sld [smem:$0x3F9B];
	s0 =	simm.s32 @p1 $0x1  }
0x15: {  	[smem:$0x3FB8] =	sst s0;
	s0 =	simm.s32 @!p2 $0x0  }
0x16: {  	s3 =	sld [smem:$0x3FDB];
	s0 =	simm.s32 @p2 $0x1  }
0x17: {  	s4 =	simm.s32 $0x1BF5;
	[smem:$0x3FBA] =	sst s0  }
0x18: {  	s0 =	sld [smem:$0x3F9D];
	_ =	swait.ge [sflag:s4], $0x0  }
0x19: {  	s7 =	sld [smem:$0x3F9E]  }
0x1a: {  	s8 =	sadd.s32 $0xFFFFE003, lr  }
0x1b: {  	s9 =	sadd.s32 $0xFFFFFEF7, lr;
	s5 =	simm.s32 $0xFFFFFFFF;
	p2 =	slt.u32 s8, $0xFFFFF086  }
0x1c: {  	p1 =	slt.u32 s9, $0xF7A;
	s5 =	simm.s32 @!p2 $0x0  }
0x1d: {  	s5 =	simm.s32 @p1 $0x1;
	p0 =	seq.s32 s7, s2  }
0x1e: {  	s7 =	smul.u32 @!p0 $0xF7A, s2;
	p2 =	seq.s32 @!p0 s5, $0x0  }
0x1f: {  	s9 =	smul.u32 $0xF7A, s1;
	s8 =	simm.s32 @!p0 $0x1BF5;
	p2 =	por !p2, p0  }
0x20: {  	[sflag:s8] =	ssyncset.s32 @!p0 $0xFFFFF086;
	s6 =	sadd.s32 @!p0 s3, s7;
	s7 =	simm.s32 @!p0 $0x108  }
0x21: {  	s3 =	sadd.s32 s3, s9;
	s6 =	sadd.s32 @!p0 $0x88, s6;
	s7 =	simm.s32 @p2 $0x1082  }
0x22: {  	[simem:s7], [sflag:s8] =	dma.local @!p0 [hbm:s6], $0xF7A  }
0x23: {  	s9 =	sor.u32 $0xD0000000, s2;
	s6 =	simm.s32 $0x108;
	_ =	swait.ge @!p0 [sflag:s8], $0x0  }
0x24: {  	s3 =	sadd.s32 $0x88, s3;
	s6 =	simm.s32 @!p1 $0x1082;
	[sflag:s4] =	ssyncset.s32 $0xFFFFF086  }
0x25: {  	[simem:s6], [sflag:s4] =	dma.local [hbm:s3], $0xF7A  }
0x26: {  	[smem:$0x3F9E] =	sst s1;
	(tag) =	ssettag s2;
	_ =	strace s9  }
0x27: {  	s1 =	sld [smem:$0x3FAE]  }
0x28: {  	s2 =	sld [smem:$0x3FAF]  }
0x29: {  	s4 =	sld [smem:$0x3FB1]  }
0x2a: {  	p0 =	seq.s32 s5, $0x0;
	s5 =	sld [smem:$0x3FB2]  }
0x2b: {  	s6 =	sld [smem:$0x3FB3]  }
0x2c: {  	s7 =	sld [smem:$0x3FB4]  }
0x2d: {  	s3 =	simm.s32 $0x108;
	s8 =	sld [smem:$0x3FB5]  }
0x2e: {  	s3 =	simm.s32 @!p0 $0x1082;
	s9 =	sld [smem:$0x3FB6]  }
0x2f: {  	lr =	sadd.s32 s0, s3;
	s0 =	sld [smem:$0x3FAD]  }
0x30: {  	s3 =	sld [smem:$0x3FB0]  }
0x31: {  	[smem:$0x3FB9] =	sst s10  }
0x32: {  	s10 =	sld [smem:$0x3FB7];
	_ =	sdelay $0x3  }
0x33: {  	p0 =	seq.s32 s10, $0x1;
	s10 =	sld [smem:$0x3FB9];
	_ =	sdelay $0x3  }
0x34: {  	[smem:$0x3FB9] =	sst s10  }
0x35: {  	s10 =	sld [smem:$0x3FB8];
	_ =	sdelay $0x3  }
0x36: {  	p1 =	seq.s32 s10, $0x1;
	s10 =	sld [smem:$0x3FB9];
	_ =	sdelay $0x3  }
0x37: {  	[smem:$0x3FB9] =	sst s10  }
0x38: {  	s10 =	sld [smem:$0x3FBA]  }
0x39: {  	_ = 	snop;
	(pc) =	sbr.ind lr, $3  }
0x3a: {  	_ = 	snop  }
0x3b: {  	_ = 	snop  }
0x3c: {  	p2 =	seq.s32 s10, $0x1;
	s10 =	sld [smem:$0x3FB9]  }
0x3d: {  	_ =	shalt  }
0x3e: {  	_ =	shalt  }
0x3f: {  	_ =	shalt  }
0x40: {  	_ =	shalt  }
0x41: {  	_ =	shalt  }
0x42: {  	_ =	shalt  }
0x43: {  	_ =	shalt  }
0x44: {  	_ =	shalt  }
0x45: {  	_ =	shalt  }
0x46: {  	_ =	shalt  }
0x47: {  	_ =	shalt  }
0x48: {  	_ =	shalt  }
0x49: {  	_ =	shalt  }
0x4a: {  	_ =	shalt  }
0x4b: {  	_ =	shalt  }
0x4c: {  	_ =	shalt  }
0x4d: {  	_ =	shalt  }
0x4e: {  	_ =	shalt  }
0x4f: {  	_ =	shalt  }
0x50: {  	_ =	shalt  }
0x51: {  	_ =	shalt  }
0x52: {  	_ =	shalt  }
0x53: {  	_ =	shalt  }
0x54: {  	_ =	shalt  }
0x55: {  	_ =	shalt  }
0x56: {  	_ =	shalt  }
0x57: {  	_ =	shalt  }
0x58: {  	_ =	shalt  }
0x59: {  	_ =	shalt  }
0x5a: {  	_ =	shalt  }
0x5b: {  	_ =	shalt  }
0x5c: {  	_ =	shalt  }
0x5d: {  	_ =	shalt  }
0x5e: {  	_ =	shalt  }
0x5f: {  	_ =	shalt  }
0x60: {  	_ =	shalt  }
0x61: {  	_ =	shalt  }
0x62: {  	_ =	shalt  }
0x63: {  	_ =	shalt  }
0x64: {  	_ =	shalt  }
0x65: {  	_ =	shalt  }
0x66: {  	_ =	shalt  }
0x67: {  	_ =	shalt  }
0x68: {  	_ =	shalt  }
0x69: {  	_ =	shalt  }
0x6a: {  	_ =	shalt  }
0x6b: {  	_ =	shalt  }
0x6c: {  	_ =	shalt  }
0x6d: {  	_ =	shalt  }
0x6e: {  	_ =	shalt  }
0x6f: {  	_ =	shalt  }
0x70: {  	_ =	shalt  }
0x71: {  	_ =	shalt  }
0x72: {  	_ =	shalt  }
0x73: {  	_ =	shalt  }
0x74: {  	_ =	shalt  }
0x75: {  	_ =	shalt  }
0x76: {  	_ =	shalt  }
0x77: {  	_ =	shalt  }
0x78: {  	_ =	shalt  }
0x79: {  	_ =	shalt  }
0x7a: {  	_ =	shalt  }
0x7b: {  	_ =	shalt  }
0x7c: {  	_ =	shalt  }
0x7d: {  	_ =	shalt  }
0x7e: {  	_ =	shalt  }
0x7f: {  	_ =	shalt  }
0x80: {  	_ =	shalt  }
0x81: {  	_ =	shalt  }
0x82: {  	_ =	shalt  }
0x83: {  	_ =	shalt  }
0x84: {  	_ =	shalt  }
0x85: {  	_ =	shalt  }
0x86: {  	_ =	shalt  }
0x87: {  	_ =	shalt  }
.Lfunc_end0:
.L_simem_size_0:
called_computation_lowered:
.L_overlay_start_0:
0x88: {  	s2 =	sld [smem:$0x3FD9]  }
0x89: {  	s3 =	sld [smem:$0x3FFE];
	_ =	sdelay $0x1  }
0x8a: {  	s1 =	srdreg.scid  }
0x8b: {  	s0 =	sand.u32 $0x1, s1  }
0x8c: {  	s18 =	sshll.u32 s0, $0xA;
	s2 =	sadd.s32 s3, s2  }
0x8d: {  	s2 =	sadd.s32 s2, s18  }
0x8e: {  	[smem:$0x3FC5] =	sst s2  }
0x8f: {  	_ = 	snop  }
0x90: {  	s2 =	sld [smem:$0x3FC9]  }
0x91: {  	s19 =	sld [smem:$0x3FC8]  }
0x92: {  	s4 =	sld [smem:$0x3FC7]  }
0x93: {  	s5 =	sld [smem:$0x3FD0];
	(tm) =	ssettm $0x1  }
0x94: {  	s6 =	sld [smem:$0x3FFB];
	_ =	sdelay $0x3  }
0x95: {  	_ =	strace s6  }
0x96: {  	s6 =	sld [smem:$0x3FFC];
	_ =	sdelay $0x3  }
0x97: {  	_ =	strace s6  }
0x98: {  	s6 =	sld [smem:$0x3FFD];
	_ =	sdelay $0x3  }
0x99: {  	_ =	strace s6  }
0x9a: {  	_ =	strace $0x8FFFFFFF  }
0x9b: {  	s20 =	sld [smem:$0x3FDB];
	_ =	sdelay $0x1  }
0x9c: {  	s7 =	simm.s32 $_scs_section_size  }
0x9d: {  	s8 =	simm.s32 $_size__tile_overlayer_lowered;
	s9 =	simm.s32 $_tile_overlayer_lowered  }
0x9e: {  	s23 =	simm.s32 $0x1BFF;
	s22 =	sshll.u32 s9, $0x1;
	s6 =	sadd.s32 s7, s20  }
0x9f: {  	s10 =	simm.s32 $0x0;
	s21 =	sshll.u32 s8, $0x1;
	s8 =	sadd.s32 s22, s6  }
0xa0: {  	[timem:s10], [sflag:s23] =	dma.local [hbm:s8], s21  }
0xa1: {  	_ =	swait.ge [sflag:s23], s21  }
0xa2: {  	s7 =	ssub.s32 $0x0, s21;
	[sflag:s23] =	ssyncset.done $0x0  }
0xa3: {  	[sflag:s23] =	ssyncadd.s32 s7;
	_ =	sdelay $0x1  }
0xa4: {  	s24 =	simm.s32 $0x1B8B  }
0xa5: {  	_ =	swait.ge [sflag:s24], $0x1  }
0xa6: {  	[sflag:s24] =	ssyncset.done $0x0  }
0xa7: {  	s25 =	simm.s32 $0x1B8E;
	[sflag:s24] =	ssyncadd.s32 $0xFFFFFFFF  }
0xa8: {  	s26 =	simm.s32 $execute0_lowered;
	[smem:$0x3FD2] =	sst s25  }
0xa9: {  	s7 =	sshll.u32 s26, $0x1;
	_ =	strace $0x80000046;
	[dreg:$0x1] =	wrdreg $0xFFFFFFFF  }
0xaa: {  	s28 =	simm.s32 $_size_execute0_lowered;
	s6 =	sadd.s32 s6, s7;
	[dreg:$0x0] =	wrdreg $0x0  }
0xab: {  	s7 =	sshll.u32 s28, $0x1;
	[dreg:$0x2] =	wrdreg s6  }
0xac: {  	[dreg:$0x3] =	wrdreg s7  }
0xad: {  	[dreg:$0x4] =	wrdreg $0xC0  }
0xae: {  	_ =	task [dreg:s10], $0x5FFFF  }
0xaf: {  	[dreg:$0x1] =	wrdreg $0xFFFFFFFF  }
0xb0: {  	[dreg:$0x0] =	wrdreg $0x60  }
0xb1: {  	[dreg:$0x2] =	wrdreg s19  }
0xb2: {  	[dreg:$0x3] =	wrdreg s2  }
0xb3: {  	[dreg:$0x4] =	wrdreg s4  }
0xb4: {  	[dreg:$0x5] =	wrdreg s5  }
0xb5: {  	[dreg:$0x6] =	wrdreg $0x9  }
0xb6: {  	_ =	task.clear_ibuf [dreg:s10], $0x7FFFF;
	_ =	strace $0x90000046  }
0xb7: {  	s29 =	simm.s32 $0x9;
	_ =	strace $0x80000048  }
0xb8: {  	_ =	swait.ge [sflag:s29], $0x1  }
0xb9: {  	[sflag:s29] =	ssyncadd.s32 $0xFFFFFFFF  }
0xba: {  	_ =	strace $0x90000048  }
0xbb: {  	_ =	sfence  }
0xbc: {  	s30 =	sld [smem:$0x0];
	_ =	sdelay $0x2  }
0xbd: {  	s31 =	sshll.u32 s1, $0xD;
	s1 =	sshrl.u32 s1, $0x2  }
0xbe: {  	s3 =	sand.u32 $0x4000, s31;
	s1 =	sadd.s32 s1, s30  }
0xbf: {  	s0 =	sor.u32 s3, s0;
	s1 =	sshll.u32 s1, $0x11  }
0xc0: {  	s0 =	sor.u32 s1, s0  }
0xc1: {  	s0 =	sadd.s32 $0x8F2B, s0  }
0xc2: {  	[sflag:s0] =	ssyncadd.remote.s32 $0x1  }
0xc3: {  	_ =	sfence.sel $0xFFFF  }
0xc4: {  	[dreg:$0x0] =	wrdreg $0xFFFFFFFF;
	(pc) =	sbr.abs _section_cstart, $3  }
0xc5: {  	[dreg:$0x1] =	wrdreg $0xFFFFFFFF  }
0xc6: {  	_ =	task.clear_ibuf [dreg:s10], $0x2FFFF;
	_ =	strace $0x9FFFFFFF  }
0xc7: {  	(tm) =	ssettm $0x7FFFFFFF  }
tec
execute0_lowered:
.L_overlay_start_1:
0x0: {  	(tag) =	ssettag $0x1  }
0x1: {  	s2 =	srdreg.scid;
	s0 =	stileid.u32  }
0x2: {  	s30 =	sand.u32 $0x1, s2;
	s26 =	sshll.u32 s0, $0x1  }
0x3: {  	s31 =	sor.u32 s30, s26  }
0x4: {  	s1 =	rddreg [dreg:$0x0];
	s6 =	smul.u32 $0x3400, s31  }
0x5: {  	s5 =	rddreg [dreg:$0x1]  }
0x6: {  	s3 =	rddreg [dreg:$0x2];
	s4 =	simm.s32 $0x0;
	s6 =	sshrl.u32 s6, $0x3  }
0x7: {  	[smem:$0x7FF] =	sst s4;
	s5 =	sadd.s32 s5, s6  }
0x8: {  	s2 =	rddreg [dreg:$0x3];
	_ =	strace $0x80000047;
	s6 =	sadd.s32 $0x68, s5  }
0x9: {  	[tilespmem:s4], [sflag:$0x4] =	stream.linear.gather [hbm4b:s5+s4], $0x340, $0x38;
	[tilespmem:$0x1A900] =	vst v63  }
0xa: {  	[dreg:$0x5] =	wrdreg s6;
	s6 =	simm.s32 $0x4  }
0xb: {  	_ =	swait.ge [sflag:s6], $0x340  }
0xc: {  	[sflag:s6] =	ssyncset.done $0x0  }
0xd: {  	s7 =	simm.s32 $0x1A0;
	s8 =	simm.s32 $0x380;
	[sflag:s6] =	ssyncadd.s32 $0xFFFFFCC0  }
0xe: {  	[tilespmem:s8], [sflag:$0x1] =	stream.indirect.gather [hbm4b:s1+s7], $0x80, s4, s7, $0xb8;
	[tilespmem:$0x1A900] =	vst v63  }
0xf: {  	s9 =	simm.s32 $0xD380  }
0x10: {  	[tilespmem:s9], [sflag:$0x2] =	stream.indirect.gather [hbm4b:s1+s7], $0x80, s7, s7, $0xb8;
	[tilespmem:$0x1A900] =	vst v63  }
0x11: {  	s10 =	simm.s32 $0x340;
	s11 =	simm.s32 $0x1A380;
	s12 =	simm.s32 $0x1  }
0x12: {  	[tilespmem:s11], [sflag:$0x3] =	stream.indirect.gather [hbm4b:s3+s10], $0x1, s4, s10, $0xb8;
	[tilespmem:$0x1A900] =	vst v63  }
0x13: {  	_ =	swait.ge [sflag:s12], $0xD000  }
0x14: {  	[sflag:s12] =	ssyncset.done $0x0  }
0x15: {  	s13 =	simm.s32 $0x2;
	[sflag:s12] =	ssyncadd.s32 $0xFFFF3000  }
0x16: {  	_ =	swait.ge [sflag:s13], $0xD000  }
0x17: {  	[sflag:s13] =	ssyncset.done $0x0  }
0x18: {  	s14 =	simm.s32 $0x3;
	[sflag:s13] =	ssyncadd.s32 $0xFFFF3000  }
0x19: {  	_ =	swait.ge [sflag:s14], $0x340  }
0x1a: {  	[sflag:s14] =	ssyncset.done $0x0  }
0x1b: {  	s15 =	rddreg [dreg:$0x5];
	[sflag:s14] =	ssyncadd.s32 $0xFFFFFCC0  }
0x1c: {  	[tilespmem:s4], [sflag:$0x4] =	stream.linear.gather [hbm4b:s15+s4], $0x340, $0x38;
	[tilespmem:$0x1A900] =	vst v63  }
0x1d: {  	_ =	swait.ge [sflag:s6], $0x340  }
0x1e: {  	[sflag:s6] =	ssyncset.done $0x0  }
0x1f: {  	[sflag:s6] =	ssyncadd.s32 $0xFFFFFCC0  }
0x20: {  	[tilespmem:s8], [sflag:$0x1] =	stream.indirect.gather [hbm4b:s1+s7], $0x80, s4, s7, $0xb8;
	[tilespmem:$0x1A900] =	vst v63  }
0x21: {  	_ = 	snop  }
0x22: {  	[tilespmem:s9], [sflag:$0x2] =	stream.indirect.gather [hbm4b:s1+s7], $0x80, s7, s7, $0xb8;
	[tilespmem:$0x1A900] =	vst v63  }
0x23: {  	_ = 	snop  }
0x24: {  	[tilespmem:s11], [sflag:$0x3] =	stream.indirect.gather [hbm4b:s3+s10], $0x1, s4, s10, $0xb8;
	[tilespmem:$0x1A900] =	vst v63  }
0x25: {  	_ =	swait.ge [sflag:s12], $0xD000  }
0x26: {  	[sflag:s12] =	ssyncset.done $0x0  }
0x27: {  	[sflag:s12] =	ssyncadd.s32 $0xFFFF3000  }
0x28: {  	_ =	swait.ge [sflag:s13], $0xD000  }
0x29: {  	[sflag:s13] =	ssyncset.done $0x0  }
0x2a: {  	[sflag:s13] =	ssyncadd.s32 $0xFFFF3000  }
0x2b: {  	_ =	swait.ge [sflag:s14], $0x340  }
0x2c: {  	[sflag:s14] =	ssyncset.done $0x0  }
0x2d: {  	s15 =	sadd.s32 $0xD0, s5;
	[sflag:s14] =	ssyncadd.s32 $0xFFFFFCC0  }
0x2e: {  	[tilespmem:s4], [sflag:$0x4] =	stream.linear.gather [hbm4b:s15+s4], $0x340, $0x38;
	[tilespmem:$0x1A900] =	vst v63  }
0x2f: {  	_ =	swait.ge [sflag:s6], $0x340  }
0x30: {  	[sflag:s6] =	ssyncset.done $0x0  }
0x31: {  	[sflag:s6] =	ssyncadd.s32 $0xFFFFFCC0  }
0x32: {  	[tilespmem:s8], [sflag:$0x1] =	stream.indirect.gather [hbm4b:s1+s7], $0x80, s4, s7, $0xb8;
	[tilespmem:$0x1A900] =	vst v63  }
0x33: {  	_ = 	snop  }
0x34: {  	[tilespmem:s9], [sflag:$0x2] =	stream.indirect.gather [hbm4b:s1+s7], $0x80, s7, s7, $0xb8;
	[tilespmem:$0x1A900] =	vst v63  }
0x35: {  	_ = 	snop  }
0x36: {  	[tilespmem:s11], [sflag:$0x3] =	stream.indirect.gather [hbm4b:s3+s10], $0x1, s4, s10, $0xb8;
	[tilespmem:$0x1A900] =	vst v63  }
0x37: {  	_ =	swait.ge [sflag:s12], $0xD000  }
0x38: {  	[sflag:s12] =	ssyncset.done $0x0  }
0x39: {  	[sflag:s12] =	ssyncadd.s32 $0xFFFF3000  }
0x3a: {  	_ =	swait.ge [sflag:s13], $0xD000  }
0x3b: {  	[sflag:s13] =	ssyncset.done $0x0  }
0x3c: {  	[sflag:s13] =	ssyncadd.s32 $0xFFFF3000  }
0x3d: {  	_ =	swait.ge [sflag:s14], $0x340  }
0x3e: {  	[sflag:s14] =	ssyncset.done $0x0  }
0x3f: {  	s16 =	sadd.s32 $0x138, s5;
	[sflag:s14] =	ssyncadd.s32 $0xFFFFFCC0  }
0x40: {  	[tilespmem:s4], [sflag:$0x4] =	stream.linear.gather [hbm4b:s16+s4], $0x340, $0x38;
	[tilespmem:$0x1A900] =	vst v63  }
0x41: {  	_ =	swait.ge [sflag:s6], $0x340  }
0x42: {  	[sflag:s6] =	ssyncset.done $0x0  }
0x43: {  	[sflag:s6] =	ssyncadd.s32 $0xFFFFFCC0  }
0x44: {  	[tilespmem:s8], [sflag:$0x1] =	stream.indirect.gather [hbm4b:s1+s7], $0x80, s4, s7, $0xb8;
	[tilespmem:$0x1A900] =	vst v63  }
0x45: {  	_ = 	snop  }
0x46: {  	[tilespmem:s9], [sflag:$0x2] =	stream.indirect.gather [hbm4b:s1+s7], $0x80, s7, s7, $0xb8;
	[tilespmem:$0x1A900] =	vst v63  }
0x47: {  	_ = 	snop  }
0x48: {  	[tilespmem:s11], [sflag:$0x3] =	stream.indirect.gather [hbm4b:s3+s10], $0x1, s4, s10, $0xb8;
	[tilespmem:$0x1A900] =	vst v63  }
0x49: {  	_ =	swait.ge [sflag:s12], $0xD000  }
0x4a: {  	[sflag:s12] =	ssyncset.done $0x0  }
0x4b: {  	[sflag:s12] =	ssyncadd.s32 $0xFFFF3000  }
0x4c: {  	_ =	swait.ge [sflag:s13], $0xD000  }
0x4d: {  	[sflag:s13] =	ssyncset.done $0x0  }
0x4e: {  	[sflag:s13] =	ssyncadd.s32 $0xFFFF3000  }
0x4f: {  	_ =	swait.ge [sflag:s14], $0x340  }
0x50: {  	[sflag:s14] =	ssyncset.done $0x0  }
0x51: {  	s17 =	sadd.s32 $0x1A0, s5;
	[sflag:s14] =	ssyncadd.s32 $0xFFFFFCC0  }
0x52: {  	[tilespmem:s4], [sflag:$0x4] =	stream.linear.gather [hbm4b:s17+s4], $0x340, $0x38;
	[tilespmem:$0x1A900] =	vst v63  }
0x53: {  	_ =	swait.ge [sflag:s6], $0x340  }
0x54: {  	[sflag:s6] =	ssyncset.done $0x0  }
0x55: {  	[sflag:s6] =	ssyncadd.s32 $0xFFFFFCC0  }
0x56: {  	[tilespmem:s8], [sflag:$0x1] =	stream.indirect.gather [hbm4b:s1+s7], $0x80, s4, s7, $0xb8;
	[tilespmem:$0x1A900] =	vst v63  }
0x57: {  	_ = 	snop  }
0x58: {  	[tilespmem:s9], [sflag:$0x2] =	stream.indirect.gather [hbm4b:s1+s7], $0x80, s7, s7, $0xb8;
	[tilespmem:$0x1A900] =	vst v63  }
0x59: {  	_ = 	snop  }
0x5a: {  	[tilespmem:s11], [sflag:$0x3] =	stream.indirect.gather [hbm4b:s3+s10], $0x1, s4, s10, $0xb8;
	[tilespmem:$0x1A900] =	vst v63  }
0x5b: {  	_ =	swait.ge [sflag:s12], $0xD000  }
0x5c: {  	[sflag:s12] =	ssyncset.done $0x0  }
0x5d: {  	[sflag:s12] =	ssyncadd.s32 $0xFFFF3000  }
0x5e: {  	_ =	swait.ge [sflag:s13], $0xD000  }
0x5f: {  	[sflag:s13] =	ssyncset.done $0x0  }
0x60: {  	[sflag:s13] =	ssyncadd.s32 $0xFFFF3000  }
0x61: {  	_ =	swait.ge [sflag:s14], $0x340  }
0x62: {  	[sflag:s14] =	ssyncset.done $0x0  }
0x63: {  	s18 =	sadd.s32 $0x208, s5;
	[sflag:s14] =	ssyncadd.s32 $0xFFFFFCC0  }
0x64: {  	[tilespmem:s4], [sflag:$0x4] =	stream.linear.gather [hbm4b:s18+s4], $0x340, $0x38;
	[tilespmem:$0x1A900] =	vst v63  }
0x65: {  	_ =	swait.ge [sflag:s6], $0x340  }
0x66: {  	[sflag:s6] =	ssyncset.done $0x0  }
0x67: {  	[sflag:s6] =	ssyncadd.s32 $0xFFFFFCC0  }
0x68: {  	[tilespmem:s8], [sflag:$0x1] =	stream.indirect.gather [hbm4b:s1+s7], $0x80, s4, s7, $0xb8;
	[tilespmem:$0x1A900] =	vst v63  }
0x69: {  	_ = 	snop  }
0x6a: {  	[tilespmem:s9], [sflag:$0x2] =	stream.indirect.gather [hbm4b:s1+s7], $0x80, s7, s7, $0xb8;
	[tilespmem:$0x1A900] =	vst v63  }
0x6b: {  	_ = 	snop  }
0x6c: {  	[tilespmem:s11], [sflag:$0x3] =	stream.indirect.gather [hbm4b:s3+s10], $0x1, s4, s10, $0xb8;
	[tilespmem:$0x1A900] =	vst v63  }
0x6d: {  	_ =	swait.ge [sflag:s12], $0xD000  }
0x6e: {  	[sflag:s12] =	ssyncset.done $0x0  }
0x6f: {  	[sflag:s12] =	ssyncadd.s32 $0xFFFF3000  }
0x70: {  	_ =	swait.ge [sflag:s13], $0xD000  }
0x71: {  	[sflag:s13] =	ssyncset.done $0x0  }
0x72: {  	[sflag:s13] =	ssyncadd.s32 $0xFFFF3000  }
0x73: {  	_ =	swait.ge [sflag:s14], $0x340  }
0x74: {  	[sflag:s14] =	ssyncset.done $0x0  }
0x75: {  	s19 =	sadd.s32 $0x270, s5;
	[sflag:s14] =	ssyncadd.s32 $0xFFFFFCC0  }
0x76: {  	[tilespmem:s4], [sflag:$0x4] =	stream.linear.gather [hbm4b:s19+s4], $0x340, $0x38;
	[tilespmem:$0x1A900] =	vst v63  }
0x77: {  	_ =	swait.ge [sflag:s6], $0x340  }
0x78: {  	[sflag:s6] =	ssyncset.done $0x0  }
0x79: {  	[sflag:s6] =	ssyncadd.s32 $0xFFFFFCC0  }
0x7a: {  	[tilespmem:s8], [sflag:$0x1] =	stream.indirect.gather [hbm4b:s1+s7], $0x80, s4, s7, $0xb8;
	[tilespmem:$0x1A900] =	vst v63  }
0x7b: {  	_ = 	snop  }
0x7c: {  	[tilespmem:s9], [sflag:$0x2] =	stream.indirect.gather [hbm4b:s1+s7], $0x80, s7, s7, $0xb8;
	[tilespmem:$0x1A900] =	vst v63  }
0x7d: {  	_ = 	snop  }
0x7e: {  	[tilespmem:s11], [sflag:$0x3] =	stream.indirect.gather [hbm4b:s3+s10], $0x1, s4, s10, $0xb8;
	[tilespmem:$0x1A900] =	vst v63  }
0x7f: {  	_ =	swait.ge [sflag:s12], $0xD000  }
0x80: {  	[sflag:s12] =	ssyncset.done $0x0  }
0x81: {  	[sflag:s12] =	ssyncadd.s32 $0xFFFF3000  }
0x82: {  	_ =	swait.ge [sflag:s13], $0xD000  }
0x83: {  	[sflag:s13] =	ssyncset.done $0x0  }
0x84: {  	[sflag:s13] =	ssyncadd.s32 $0xFFFF3000  }
0x85: {  	_ =	swait.ge [sflag:s14], $0x340  }
0x86: {  	[sflag:s14] =	ssyncset.done $0x0  }
0x87: {  	s20 =	sadd.s32 $0x2D8, s5;
	[sflag:s14] =	ssyncadd.s32 $0xFFFFFCC0  }
0x88: {  	[tilespmem:s4], [sflag:$0x4] =	stream.linear.gather [hbm4b:s20+s4], $0x340, $0x38;
	[tilespmem:$0x1A900] =	vst v63  }
0x89: {  	_ =	swait.ge [sflag:s6], $0x340  }
0x8a: {  	[sflag:s6] =	ssyncset.done $0x0  }
0x8b: {  	[sflag:s6] =	ssyncadd.s32 $0xFFFFFCC0  }
0x8c: {  	[tilespmem:s8], [sflag:$0x1] =	stream.indirect.gather [hbm4b:s1+s7], $0x80, s4, s7, $0xb8;
	[tilespmem:$0x1A900] =	vst v63  }
0x8d: {  	_ = 	snop  }
0x8e: {  	[tilespmem:s9], [sflag:$0x2] =	stream.indirect.gather [hbm4b:s1+s7], $0x80, s7, s7, $0xb8;
	[tilespmem:$0x1A900] =	vst v63  }
0x8f: {  	_ = 	snop  }
0x90: {  	[tilespmem:s11], [sflag:$0x3] =	stream.indirect.gather [hbm4b:s3+s10], $0x1, s4, s10, $0xb8;
	[tilespmem:$0x1A900] =	vst v63  }
0x91: {  	_ =	swait.ge [sflag:s12], $0xD000  }
0x92: {  	[sflag:s12] =	ssyncset.done $0x0  }
0x93: {  	[sflag:s12] =	ssyncadd.s32 $0xFFFF3000  }
0x94: {  	_ =	swait.ge [sflag:s13], $0xD000  }
0x95: {  	[sflag:s13] =	ssyncset.done $0x0  }
0x96: {  	[sflag:s13] =	ssyncadd.s32 $0xFFFF3000  }
0x97: {  	_ =	swait.ge [sflag:s14], $0x340  }
0x98: {  	[sflag:s14] =	ssyncset.done $0x0  }
0x99: {  	s21 =	sadd.s32 $0x340, s5;
	[sflag:s14] =	ssyncadd.s32 $0xFFFFFCC0  }
0x9a: {  	[tilespmem:s4], [sflag:$0x4] =	stream.linear.gather [hbm4b:s21+s4], $0x340, $0x38;
	[tilespmem:$0x1A900] =	vst v63  }
0x9b: {  	_ =	swait.ge [sflag:s6], $0x340  }
0x9c: {  	[sflag:s6] =	ssyncset.done $0x0  }
0x9d: {  	[sflag:s6] =	ssyncadd.s32 $0xFFFFFCC0  }
0x9e: {  	[tilespmem:s8], [sflag:$0x1] =	stream.indirect.gather [hbm4b:s1+s7], $0x80, s4, s7, $0xb8;
	[tilespmem:$0x1A900] =	vst v63  }
0x9f: {  	_ = 	snop  }
0xa0: {  	[tilespmem:s9], [sflag:$0x2] =	stream.indirect.gather [hbm4b:s1+s7], $0x80, s7, s7, $0xb8;
	[tilespmem:$0x1A900] =	vst v63  }
0xa1: {  	_ = 	snop  }
0xa2: {  	[tilespmem:s11], [sflag:$0x3] =	stream.indirect.gather [hbm4b:s3+s10], $0x1, s4, s10, $0xb8;
	[tilespmem:$0x1A900] =	vst v63  }
0xa3: {  	_ =	swait.ge [sflag:s12], $0xD000  }
0xa4: {  	[sflag:s12] =	ssyncset.done $0x0  }
0xa5: {  	[sflag:s12] =	ssyncadd.s32 $0xFFFF3000  }
0xa6: {  	_ =	swait.ge [sflag:s13], $0xD000  }
0xa7: {  	[sflag:s13] =	ssyncset.done $0x0  }
0xa8: {  	[sflag:s13] =	ssyncadd.s32 $0xFFFF3000  }
0xa9: {  	_ =	swait.ge [sflag:s14], $0x340  }
0xaa: {  	[sflag:s14] =	ssyncset.done $0x0  }
0xab: {  	s22 =	sadd.s32 $0x3A8, s5;
	[sflag:s14] =	ssyncadd.s32 $0xFFFFFCC0  }
0xac: {  	[tilespmem:s4], [sflag:$0x4] =	stream.linear.gather [hbm4b:s22+s4], $0x340, $0x38;
	[tilespmem:$0x1A900] =	vst v63  }
0xad: {  	_ =	swait.ge [sflag:s6], $0x340  }
0xae: {  	[sflag:s6] =	ssyncset.done $0x0  }
0xaf: {  	[sflag:s6] =	ssyncadd.s32 $0xFFFFFCC0  }
0xb0: {  	[tilespmem:s8], [sflag:$0x1] =	stream.indirect.gather [hbm4b:s1+s7], $0x80, s4, s7, $0xb8;
	[tilespmem:$0x1A900] =	vst v63  }
0xb1: {  	_ = 	snop  }
0xb2: {  	[tilespmem:s9], [sflag:$0x2] =	stream.indirect.gather [hbm4b:s1+s7], $0x80, s7, s7, $0xb8;
	[tilespmem:$0x1A900] =	vst v63  }
0xb3: {  	_ = 	snop  }
0xb4: {  	[tilespmem:s11], [sflag:$0x3] =	stream.indirect.gather [hbm4b:s3+s10], $0x1, s4, s10, $0xb8;
	[tilespmem:$0x1A900] =	vst v63  }
0xb5: {  	_ =	swait.ge [sflag:s12], $0xD000  }
0xb6: {  	[sflag:s12] =	ssyncset.done $0x0  }
0xb7: {  	[sflag:s12] =	ssyncadd.s32 $0xFFFF3000  }
0xb8: {  	_ =	swait.ge [sflag:s13], $0xD000  }
0xb9: {  	[sflag:s13] =	ssyncset.done $0x0  }
0xba: {  	[sflag:s13] =	ssyncadd.s32 $0xFFFF3000  }
0xbb: {  	_ =	swait.ge [sflag:s14], $0x340  }
0xbc: {  	[sflag:s14] =	ssyncset.done $0x0  }
0xbd: {  	s23 =	sadd.s32 $0x410, s5;
	[sflag:s14] =	ssyncadd.s32 $0xFFFFFCC0  }
0xbe: {  	[tilespmem:s4], [sflag:$0x4] =	stream.linear.gather [hbm4b:s23+s4], $0x340, $0x38;
	[tilespmem:$0x1A900] =	vst v63  }
0xbf: {  	_ =	swait.ge [sflag:s6], $0x340  }
0xc0: {  	[sflag:s6] =	ssyncset.done $0x0  }
0xc1: {  	[sflag:s6] =	ssyncadd.s32 $0xFFFFFCC0  }
0xc2: {  	[tilespmem:s8], [sflag:$0x1] =	stream.indirect.gather [hbm4b:s1+s7], $0x80, s4, s7, $0xb8;
	[tilespmem:$0x1A900] =	vst v63  }
0xc3: {  	_ = 	snop  }
0xc4: {  	[tilespmem:s9], [sflag:$0x2] =	stream.indirect.gather [hbm4b:s1+s7], $0x80, s7, s7, $0xb8;
	[tilespmem:$0x1A900] =	vst v63  }
0xc5: {  	_ = 	snop  }
0xc6: {  	[tilespmem:s11], [sflag:$0x3] =	stream.indirect.gather [hbm4b:s3+s10], $0x1, s4, s10, $0xb8;
	[tilespmem:$0x1A900] =	vst v63  }
0xc7: {  	_ =	swait.ge [sflag:s12], $0xD000  }
0xc8: {  	[sflag:s12] =	ssyncset.done $0x0  }
0xc9: {  	[sflag:s12] =	ssyncadd.s32 $0xFFFF3000  }
0xca: {  	_ =	swait.ge [sflag:s13], $0xD000  }
0xcb: {  	[sflag:s13] =	ssyncset.done $0x0  }
0xcc: {  	[sflag:s13] =	ssyncadd.s32 $0xFFFF3000  }
0xcd: {  	_ =	swait.ge [sflag:s14], $0x340  }
0xce: {  	[sflag:s14] =	ssyncset.done $0x0  }
0xcf: {  	s24 =	sadd.s32 $0x478, s5;
	[sflag:s14] =	ssyncadd.s32 $0xFFFFFCC0  }
0xd0: {  	[tilespmem:s4], [sflag:$0x4] =	stream.linear.gather [hbm4b:s24+s4], $0x340, $0x38;
	[tilespmem:$0x1A900] =	vst v63  }
0xd1: {  	_ =	swait.ge [sflag:s6], $0x340  }
0xd2: {  	[sflag:s6] =	ssyncset.done $0x0  }
0xd3: {  	[sflag:s6] =	ssyncadd.s32 $0xFFFFFCC0  }
0xd4: {  	[tilespmem:s8], [sflag:$0x1] =	stream.indirect.gather [hbm4b:s1+s7], $0x80, s4, s7, $0xb8;
	[tilespmem:$0x1A900] =	vst v63  }
0xd5: {  	_ = 	snop  }
0xd6: {  	[tilespmem:s9], [sflag:$0x2] =	stream.indirect.gather [hbm4b:s1+s7], $0x80, s7, s7, $0xb8;
	[tilespmem:$0x1A900] =	vst v63  }
0xd7: {  	_ = 	snop  }
0xd8: {  	[tilespmem:s11], [sflag:$0x3] =	stream.indirect.gather [hbm4b:s3+s10], $0x1, s4, s10, $0xb8;
	[tilespmem:$0x1A900] =	vst v63  }
0xd9: {  	_ =	swait.ge [sflag:s12], $0xD000  }
0xda: {  	[sflag:s12] =	ssyncset.done $0x0  }
0xdb: {  	[sflag:s12] =	ssyncadd.s32 $0xFFFF3000  }
0xdc: {  	_ =	swait.ge [sflag:s13], $0xD000  }
0xdd: {  	[sflag:s13] =	ssyncset.done $0x0  }
0xde: {  	[sflag:s13] =	ssyncadd.s32 $0xFFFF3000  }
0xdf: {  	_ =	swait.ge [sflag:s14], $0x340  }
0xe0: {  	[sflag:s14] =	ssyncset.done $0x0  }
0xe1: {  	s25 =	sadd.s32 $0x4E0, s5;
	[sflag:s14] =	ssyncadd.s32 $0xFFFFFCC0  }
0xe2: {  	[tilespmem:s4], [sflag:$0x4] =	stream.linear.gather [hbm4b:s25+s4], $0x340, $0x38;
	[tilespmem:$0x1A900] =	vst v63  }
0xe3: {  	_ =	swait.ge [sflag:s6], $0x340  }
0xe4: {  	[sflag:s6] =	ssyncset.done $0x0  }
0xe5: {  	[sflag:s6] =	ssyncadd.s32 $0xFFFFFCC0  }
0xe6: {  	[tilespmem:s8], [sflag:$0x1] =	stream.indirect.gather [hbm4b:s1+s7], $0x80, s4, s7, $0xb8;
	[tilespmem:$0x1A900] =	vst v63  }
0xe7: {  	_ = 	snop  }
0xe8: {  	[tilespmem:s9], [sflag:$0x2] =	stream.indirect.gather [hbm4b:s1+s7], $0x80, s7, s7, $0xb8;
	[tilespmem:$0x1A900] =	vst v63  }
0xe9: {  	_ = 	snop  }
0xea: {  	[tilespmem:s11], [sflag:$0x3] =	stream.indirect.gather [hbm4b:s3+s10], $0x1, s4, s10, $0xb8;
	[tilespmem:$0x1A900] =	vst v63  }
0xeb: {  	_ =	swait.ge [sflag:s12], $0xD000  }
0xec: {  	[sflag:s12] =	ssyncset.done $0x0  }
0xed: {  	[sflag:s12] =	ssyncadd.s32 $0xFFFF3000  }
0xee: {  	_ =	swait.ge [sflag:s13], $0xD000  }
0xef: {  	[sflag:s13] =	ssyncset.done $0x0  }
0xf0: {  	[sflag:s13] =	ssyncadd.s32 $0xFFFF3000  }
0xf1: {  	_ =	swait.ge [sflag:s14], $0x340  }
0xf2: {  	[sflag:s14] =	ssyncset.done $0x0  }
0xf3: {  	s26 =	sadd.s32 $0x548, s5;
	[sflag:s14] =	ssyncadd.s32 $0xFFFFFCC0  }
0xf4: {  	[tilespmem:s4], [sflag:$0x4] =	stream.linear.gather [hbm4b:s26+s4], $0x340, $0x38;
	[tilespmem:$0x1A900] =	vst v63  }
0xf5: {  	_ =	swait.ge [sflag:s6], $0x340  }
0xf6: {  	[sflag:s6] =	ssyncset.done $0x0  }
0xf7: {  	[sflag:s6] =	ssyncadd.s32 $0xFFFFFCC0  }
0xf8: {  	[tilespmem:s8], [sflag:$0x1] =	stream.indirect.gather [hbm4b:s1+s7], $0x80, s4, s7, $0xb8;
	[tilespmem:$0x1A900] =	vst v63  }
0xf9: {  	_ = 	snop  }
0xfa: {  	[tilespmem:s9], [sflag:$0x2] =	stream.indirect.gather [hbm4b:s1+s7], $0x80, s7, s7, $0xb8;
	[tilespmem:$0x1A900] =	vst v63  }
0xfb: {  	_ = 	snop  }
0xfc: {  	[tilespmem:s11], [sflag:$0x3] =	stream.indirect.gather [hbm4b:s3+s10], $0x1, s4, s10, $0xb8;
	[tilespmem:$0x1A900] =	vst v63  }
0xfd: {  	_ =	swait.ge [sflag:s12], $0xD000  }
0xfe: {  	[sflag:s12] =	ssyncset.done $0x0  }
0xff: {  	[sflag:s12] =	ssyncadd.s32 $0xFFFF3000  }
0x100: {  	_ =	swait.ge [sflag:s13], $0xD000  }
0x101: {  	[sflag:s13] =	ssyncset.done $0x0  }
0x102: {  	[sflag:s13] =	ssyncadd.s32 $0xFFFF3000  }
0x103: {  	_ =	swait.ge [sflag:s14], $0x340  }
0x104: {  	[sflag:s14] =	ssyncset.done $0x0  }
0x105: {  	s28 =	sadd.s32 $0x5B0, s5;
	[sflag:s14] =	ssyncadd.s32 $0xFFFFFCC0  }
0x106: {  	[tilespmem:s4], [sflag:$0x4] =	stream.linear.gather [hbm4b:s28+s4], $0x340, $0x38;
	[tilespmem:$0x1A900] =	vst v63  }
0x107: {  	_ =	swait.ge [sflag:s6], $0x340  }
0x108: {  	[sflag:s6] =	ssyncset.done $0x0  }
0x109: {  	[sflag:s6] =	ssyncadd.s32 $0xFFFFFCC0  }
0x10a: {  	[tilespmem:s8], [sflag:$0x1] =	stream.indirect.gather [hbm4b:s1+s7], $0x80, s4, s7, $0xb8;
	[tilespmem:$0x1A900] =	vst v63  }
0x10b: {  	_ = 	snop  }
0x10c: {  	[tilespmem:s9], [sflag:$0x2] =	stream.indirect.gather [hbm4b:s1+s7], $0x80, s7, s7, $0xb8;
	[tilespmem:$0x1A900] =	vst v63  }
0x10d: {  	_ = 	snop  }
0x10e: {  	[tilespmem:s11], [sflag:$0x3] =	stream.indirect.gather [hbm4b:s3+s10], $0x1, s4, s10, $0xb8;
	[tilespmem:$0x1A900] =	vst v63  }
0x10f: {  	_ =	swait.ge [sflag:s12], $0xD000  }
0x110: {  	[sflag:s12] =	ssyncset.done $0x0  }
0x111: {  	[sflag:s12] =	ssyncadd.s32 $0xFFFF3000  }
0x112: {  	_ =	swait.ge [sflag:s13], $0xD000  }
0x113: {  	[sflag:s13] =	ssyncset.done $0x0  }
0x114: {  	[sflag:s13] =	ssyncadd.s32 $0xFFFF3000  }
0x115: {  	_ =	swait.ge [sflag:s14], $0x340  }
0x116: {  	[sflag:s14] =	ssyncset.done $0x0  }
0x117: {  	s29 =	sadd.s32 $0x618, s5;
	[sflag:s14] =	ssyncadd.s32 $0xFFFFFCC0  }
0x118: {  	[tilespmem:s4], [sflag:$0x4] =	stream.linear.gather [hbm4b:s29+s4], $0x340, $0x38;
	[tilespmem:$0x1A900] =	vst v63  }
0x119: {  	_ =	swait.ge [sflag:s6], $0x340  }
0x11a: {  	[sflag:s6] =	ssyncset.done $0x0  }
0x11b: {  	[sflag:s6] =	ssyncadd.s32 $0xFFFFFCC0  }
0x11c: {  	[tilespmem:s8], [sflag:$0x1] =	stream.indirect.gather [hbm4b:s1+s7], $0x80, s4, s7, $0xb8;
	[tilespmem:$0x1A900] =	vst v63  }
0x11d: {  	_ = 	snop  }
0x11e: {  	[tilespmem:s9], [sflag:$0x2] =	stream.indirect.gather [hbm4b:s1+s7], $0x80, s7, s7, $0xb8;
	[tilespmem:$0x1A900] =	vst v63  }
0x11f: {  	_ = 	snop  }
0x120: {  	[tilespmem:s11], [sflag:$0x3] =	stream.indirect.gather [hbm4b:s3+s10], $0x1, s4, s10, $0xb8;
	[tilespmem:$0x1A900] =	vst v63  }
0x121: {  	_ =	swait.ge [sflag:s12], $0xD000  }
0x122: {  	[sflag:s12] =	ssyncset.done $0x0  }
0x123: {  	s30 =	ssub.s32 $0x2, s30;
	[sflag:s12] =	ssyncadd.s32 $0xFFFF3000  }
0x124: {  	s0 =	sshrl.u32 s30, $0x1;
	_ =	swait.ge [sflag:s13], $0xD000  }
0x125: {  	s0 =	ssub.s32 s30, s0;
	[sflag:s13] =	ssyncset.done $0x0  }
0x126: {  	s0 =	smax.u32 s0, $0x1;
	[sflag:s13] =	ssyncadd.s32 $0xFFFF3000  }
0x127: {  	p0 =	sne.s32 s0, $0x1;
	_ =	swait.ge [sflag:s14], $0x340  }
.Ltmp0:
0x128: {  	s31 =	sshll.u32 s31, $0x6;
	[sflag:s14] =	ssyncset.done $0x0;
	(pc) =	sbr.rel @!p0 .LBB2_2-.Ltmp0, $4  }
0x129: {  	s30 =	sadd.s32 s2, s31;
	s31 =	simm.s32 $0x1A700;
	[sflag:s14] =	ssyncadd.s32 $0xFFFFFCC0  }
0x12a: {  	[hbm4b:s30+s4] =	stream.linear.scatter [tilespmem:s31], [sflag:$0x4], $0x200, $0x38;
	[tilespmem:$0x1A900] =	vst v63  }
0x12b: {  	_ =	swait.ge [sflag:s6], $0x200  }
0x12c: {  	s2 =	sadd.s32 $0xFFFFFFFF, s0;
	[sflag:s6] =	ssyncset.done $0x0  }
.LBB2_1:
0x12d: {  	[sflag:s6] =	ssyncadd.s32 $0xFFFFFE00  }
0x12e: {  	[tilespmem:s4], [sflag:$0x4] =	stream.linear.gather [hbm4b:s5+s4], $0x340, $0x38;
	[tilespmem:$0x1A900] =	vst v63  }
0x12f: {  	_ =	swait.ge [sflag:s6], $0x340  }
0x130: {  	[sflag:s6] =	ssyncset.done $0x0  }
0x131: {  	[sflag:s6] =	ssyncadd.s32 $0xFFFFFCC0  }
0x132: {  	[tilespmem:s8], [sflag:$0x1] =	stream.indirect.gather [hbm4b:s1+s7], $0x80, s4, s7, $0xb8;
	[tilespmem:$0x1A900] =	vst v63  }
0x133: {  	_ = 	snop  }
0x134: {  	[tilespmem:s9], [sflag:$0x2] =	stream.indirect.gather [hbm4b:s1+s7], $0x80, s7, s7, $0xb8;
	[tilespmem:$0x1A900] =	vst v63  }
0x135: {  	_ = 	snop  }
0x136: {  	[tilespmem:s11], [sflag:$0x3] =	stream.indirect.gather [hbm4b:s3+s10], $0x1, s4, s10, $0xb8;
	[tilespmem:$0x1A900] =	vst v63  }
0x137: {  	_ =	swait.ge [sflag:s12], $0xD000  }
0x138: {  	[sflag:s12] =	ssyncset.done $0x0  }
0x139: {  	[sflag:s12] =	ssyncadd.s32 $0xFFFF3000  }
0x13a: {  	_ =	swait.ge [sflag:s13], $0xD000  }
0x13b: {  	[sflag:s13] =	ssyncset.done $0x0  }
0x13c: {  	[sflag:s13] =	ssyncadd.s32 $0xFFFF3000  }
0x13d: {  	_ =	swait.ge [sflag:s14], $0x340  }
0x13e: {  	[sflag:s14] =	ssyncset.done $0x0  }
0x13f: {  	s0 =	rddreg [dreg:$0x5];
	[sflag:s14] =	ssyncadd.s32 $0xFFFFFCC0  }
0x140: {  	[tilespmem:s4], [sflag:$0x4] =	stream.linear.gather [hbm4b:s0+s4], $0x340, $0x38;
	[tilespmem:$0x1A900] =	vst v63  }
0x141: {  	_ =	swait.ge [sflag:s6], $0x340  }
0x142: {  	[sflag:s6] =	ssyncset.done $0x0  }
0x143: {  	[sflag:s6] =	ssyncadd.s32 $0xFFFFFCC0  }
0x144: {  	[tilespmem:s8], [sflag:$0x1] =	stream.indirect.gather [hbm4b:s1+s7], $0x80, s4, s7, $0xb8;
	[tilespmem:$0x1A900] =	vst v63  }
0x145: {  	_ = 	snop  }
0x146: {  	[tilespmem:s9], [sflag:$0x2] =	stream.indirect.gather [hbm4b:s1+s7], $0x80, s7, s7, $0xb8;
	[tilespmem:$0x1A900] =	vst v63  }
0x147: {  	_ = 	snop  }
0x148: {  	[tilespmem:s11], [sflag:$0x3] =	stream.indirect.gather [hbm4b:s3+s10], $0x1, s4, s10, $0xb8;
	[tilespmem:$0x1A900] =	vst v63  }
0x149: {  	_ =	swait.ge [sflag:s12], $0xD000  }
0x14a: {  	[sflag:s12] =	ssyncset.done $0x0  }
0x14b: {  	[sflag:s12] =	ssyncadd.s32 $0xFFFF3000  }
0x14c: {  	_ =	swait.ge [sflag:s13], $0xD000  }
0x14d: {  	[sflag:s13] =	ssyncset.done $0x0  }
0x14e: {  	[sflag:s13] =	ssyncadd.s32 $0xFFFF3000  }
0x14f: {  	_ =	swait.ge [sflag:s14], $0x340  }
0x150: {  	[sflag:s14] =	ssyncset.done $0x0  }
0x151: {  	[sflag:s14] =	ssyncadd.s32 $0xFFFFFCC0  }
0x152: {  	[tilespmem:s4], [sflag:$0x4] =	stream.linear.gather [hbm4b:s15+s4], $0x340, $0x38;
	[tilespmem:$0x1A900] =	vst v63  }
0x153: {  	_ =	swait.ge [sflag:s6], $0x340  }
0x154: {  	[sflag:s6] =	ssyncset.done $0x0  }
0x155: {  	[sflag:s6] =	ssyncadd.s32 $0xFFFFFCC0  }
0x156: {  	[tilespmem:s8], [sflag:$0x1] =	stream.indirect.gather [hbm4b:s1+s7], $0x80, s4, s7, $0xb8;
	[tilespmem:$0x1A900] =	vst v63  }
0x157: {  	_ = 	snop  }
0x158: {  	[tilespmem:s9], [sflag:$0x2] =	stream.indirect.gather [hbm4b:s1+s7], $0x80, s7, s7, $0xb8;
	[tilespmem:$0x1A900] =	vst v63  }
0x159: {  	_ = 	snop  }
0x15a: {  	[tilespmem:s11], [sflag:$0x3] =	stream.indirect.gather [hbm4b:s3+s10], $0x1, s4, s10, $0xb8;
	[tilespmem:$0x1A900] =	vst v63  }
0x15b: {  	_ =	swait.ge [sflag:s12], $0xD000  }
0x15c: {  	[sflag:s12] =	ssyncset.done $0x0  }
0x15d: {  	[sflag:s12] =	ssyncadd.s32 $0xFFFF3000  }
0x15e: {  	_ =	swait.ge [sflag:s13], $0xD000  }
0x15f: {  	[sflag:s13] =	ssyncset.done $0x0  }
0x160: {  	[sflag:s13] =	ssyncadd.s32 $0xFFFF3000  }
0x161: {  	_ =	swait.ge [sflag:s14], $0x340  }
0x162: {  	[sflag:s14] =	ssyncset.done $0x0  }
0x163: {  	[sflag:s14] =	ssyncadd.s32 $0xFFFFFCC0  }
0x164: {  	[tilespmem:s4], [sflag:$0x4] =	stream.linear.gather [hbm4b:s16+s4], $0x340, $0x38;
	[tilespmem:$0x1A900] =	vst v63  }
0x165: {  	_ =	swait.ge [sflag:s6], $0x340  }
0x166: {  	[sflag:s6] =	ssyncset.done $0x0  }
0x167: {  	[sflag:s6] =	ssyncadd.s32 $0xFFFFFCC0  }
0x168: {  	[tilespmem:s8], [sflag:$0x1] =	stream.indirect.gather [hbm4b:s1+s7], $0x80, s4, s7, $0xb8;
	[tilespmem:$0x1A900] =	vst v63  }
0x169: {  	_ = 	snop  }
0x16a: {  	[tilespmem:s9], [sflag:$0x2] =	stream.indirect.gather [hbm4b:s1+s7], $0x80, s7, s7, $0xb8;
	[tilespmem:$0x1A900] =	vst v63  }
0x16b: {  	_ = 	snop  }
0x16c: {  	[tilespmem:s11], [sflag:$0x3] =	stream.indirect.gather [hbm4b:s3+s10], $0x1, s4, s10, $0xb8;
	[tilespmem:$0x1A900] =	vst v63  }
0x16d: {  	_ =	swait.ge [sflag:s12], $0xD000  }
0x16e: {  	[sflag:s12] =	ssyncset.done $0x0  }
0x16f: {  	[sflag:s12] =	ssyncadd.s32 $0xFFFF3000  }
0x170: {  	_ =	swait.ge [sflag:s13], $0xD000  }
0x171: {  	[sflag:s13] =	ssyncset.done $0x0  }
0x172: {  	[sflag:s13] =	ssyncadd.s32 $0xFFFF3000  }
0x173: {  	_ =	swait.ge [sflag:s14], $0x340  }
0x174: {  	[sflag:s14] =	ssyncset.done $0x0  }
0x175: {  	[sflag:s14] =	ssyncadd.s32 $0xFFFFFCC0  }
0x176: {  	[tilespmem:s4], [sflag:$0x4] =	stream.linear.gather [hbm4b:s17+s4], $0x340, $0x38;
	[tilespmem:$0x1A900] =	vst v63  }
0x177: {  	_ =	swait.ge [sflag:s6], $0x340  }
0x178: {  	[sflag:s6] =	ssyncset.done $0x0  }
0x179: {  	[sflag:s6] =	ssyncadd.s32 $0xFFFFFCC0  }
0x17a: {  	[tilespmem:s8], [sflag:$0x1] =	stream.indirect.gather [hbm4b:s1+s7], $0x80, s4, s7, $0xb8;
	[tilespmem:$0x1A900] =	vst v63  }
0x17b: {  	_ = 	snop  }
0x17c: {  	[tilespmem:s9], [sflag:$0x2] =	stream.indirect.gather [hbm4b:s1+s7], $0x80, s7, s7, $0xb8;
	[tilespmem:$0x1A900] =	vst v63  }
0x17d: {  	_ = 	snop  }
0x17e: {  	[tilespmem:s11], [sflag:$0x3] =	stream.indirect.gather [hbm4b:s3+s10], $0x1, s4, s10, $0xb8;
	[tilespmem:$0x1A900] =	vst v63  }
0x17f: {  	_ =	swait.ge [sflag:s12], $0xD000  }
0x180: {  	[sflag:s12] =	ssyncset.done $0x0  }
0x181: {  	[sflag:s12] =	ssyncadd.s32 $0xFFFF3000  }
0x182: {  	_ =	swait.ge [sflag:s13], $0xD000  }
0x183: {  	[sflag:s13] =	ssyncset.done $0x0  }
0x184: {  	[sflag:s13] =	ssyncadd.s32 $0xFFFF3000  }
0x185: {  	_ =	swait.ge [sflag:s14], $0x340  }
0x186: {  	[sflag:s14] =	ssyncset.done $0x0  }
0x187: {  	[sflag:s14] =	ssyncadd.s32 $0xFFFFFCC0  }
0x188: {  	[tilespmem:s4], [sflag:$0x4] =	stream.linear.gather [hbm4b:s18+s4], $0x340, $0x38;
	[tilespmem:$0x1A900] =	vst v63  }
0x189: {  	_ =	swait.ge [sflag:s6], $0x340  }
0x18a: {  	[sflag:s6] =	ssyncset.done $0x0  }
0x18b: {  	[sflag:s6] =	ssyncadd.s32 $0xFFFFFCC0  }
0x18c: {  	[tilespmem:s8], [sflag:$0x1] =	stream.indirect.gather [hbm4b:s1+s7], $0x80, s4, s7, $0xb8;
	[tilespmem:$0x1A900] =	vst v63  }
0x18d: {  	_ = 	snop  }
0x18e: {  	[tilespmem:s9], [sflag:$0x2] =	stream.indirect.gather [hbm4b:s1+s7], $0x80, s7, s7, $0xb8;
	[tilespmem:$0x1A900] =	vst v63  }
0x18f: {  	_ = 	snop  }
0x190: {  	[tilespmem:s11], [sflag:$0x3] =	stream.indirect.gather [hbm4b:s3+s10], $0x1, s4, s10, $0xb8;
	[tilespmem:$0x1A900] =	vst v63  }
0x191: {  	_ =	swait.ge [sflag:s12], $0xD000  }
0x192: {  	[sflag:s12] =	ssyncset.done $0x0  }
0x193: {  	[sflag:s12] =	ssyncadd.s32 $0xFFFF3000  }
0x194: {  	_ =	swait.ge [sflag:s13], $0xD000  }
0x195: {  	[sflag:s13] =	ssyncset.done $0x0  }
0x196: {  	[sflag:s13] =	ssyncadd.s32 $0xFFFF3000  }
0x197: {  	_ =	swait.ge [sflag:s14], $0x340  }
0x198: {  	[sflag:s14] =	ssyncset.done $0x0  }
0x199: {  	[sflag:s14] =	ssyncadd.s32 $0xFFFFFCC0  }
0x19a: {  	[tilespmem:s4], [sflag:$0x4] =	stream.linear.gather [hbm4b:s19+s4], $0x340, $0x38;
	[tilespmem:$0x1A900] =	vst v63  }
0x19b: {  	_ =	swait.ge [sflag:s6], $0x340  }
0x19c: {  	[sflag:s6] =	ssyncset.done $0x0  }
0x19d: {  	[sflag:s6] =	ssyncadd.s32 $0xFFFFFCC0  }
0x19e: {  	[tilespmem:s8], [sflag:$0x1] =	stream.indirect.gather [hbm4b:s1+s7], $0x80, s4, s7, $0xb8;
	[tilespmem:$0x1A900] =	vst v63  }
0x19f: {  	_ = 	snop  }
0x1a0: {  	[tilespmem:s9], [sflag:$0x2] =	stream.indirect.gather [hbm4b:s1+s7], $0x80, s7, s7, $0xb8;
	[tilespmem:$0x1A900] =	vst v63  }
0x1a1: {  	_ = 	snop  }
0x1a2: {  	[tilespmem:s11], [sflag:$0x3] =	stream.indirect.gather [hbm4b:s3+s10], $0x1, s4, s10, $0xb8;
	[tilespmem:$0x1A900] =	vst v63  }
0x1a3: {  	_ =	swait.ge [sflag:s12], $0xD000  }
0x1a4: {  	[sflag:s12] =	ssyncset.done $0x0  }
0x1a5: {  	[sflag:s12] =	ssyncadd.s32 $0xFFFF3000  }
0x1a6: {  	_ =	swait.ge [sflag:s13], $0xD000  }
0x1a7: {  	[sflag:s13] =	ssyncset.done $0x0  }
0x1a8: {  	[sflag:s13] =	ssyncadd.s32 $0xFFFF3000  }
0x1a9: {  	_ =	swait.ge [sflag:s14], $0x340  }
0x1aa: {  	[sflag:s14] =	ssyncset.done $0x0  }
0x1ab: {  	[sflag:s14] =	ssyncadd.s32 $0xFFFFFCC0  }
0x1ac: {  	[tilespmem:s4], [sflag:$0x4] =	stream.linear.gather [hbm4b:s20+s4], $0x340, $0x38;
	[tilespmem:$0x1A900] =	vst v63  }
0x1ad: {  	_ =	swait.ge [sflag:s6], $0x340  }
0x1ae: {  	[sflag:s6] =	ssyncset.done $0x0  }
0x1af: {  	[sflag:s6] =	ssyncadd.s32 $0xFFFFFCC0  }
0x1b0: {  	[tilespmem:s8], [sflag:$0x1] =	stream.indirect.gather [hbm4b:s1+s7], $0x80, s4, s7, $0xb8;
	[tilespmem:$0x1A900] =	vst v63  }
0x1b1: {  	_ = 	snop  }
0x1b2: {  	[tilespmem:s9], [sflag:$0x2] =	stream.indirect.gather [hbm4b:s1+s7], $0x80, s7, s7, $0xb8;
	[tilespmem:$0x1A900] =	vst v63  }
0x1b3: {  	_ = 	snop  }
0x1b4: {  	[tilespmem:s11], [sflag:$0x3] =	stream.indirect.gather [hbm4b:s3+s10], $0x1, s4, s10, $0xb8;
	[tilespmem:$0x1A900] =	vst v63  }
0x1b5: {  	_ =	swait.ge [sflag:s12], $0xD000  }
0x1b6: {  	[sflag:s12] =	ssyncset.done $0x0  }
0x1b7: {  	[sflag:s12] =	ssyncadd.s32 $0xFFFF3000  }
0x1b8: {  	_ =	swait.ge [sflag:s13], $0xD000  }
0x1b9: {  	[sflag:s13] =	ssyncset.done $0x0  }
0x1ba: {  	[sflag:s13] =	ssyncadd.s32 $0xFFFF3000  }
0x1bb: {  	_ =	swait.ge [sflag:s14], $0x340  }
0x1bc: {  	[sflag:s14] =	ssyncset.done $0x0  }
0x1bd: {  	[sflag:s14] =	ssyncadd.s32 $0xFFFFFCC0  }
0x1be: {  	[tilespmem:s4], [sflag:$0x4] =	stream.linear.gather [hbm4b:s21+s4], $0x340, $0x38;
	[tilespmem:$0x1A900] =	vst v63  }
0x1bf: {  	_ =	swait.ge [sflag:s6], $0x340  }
0x1c0: {  	[sflag:s6] =	ssyncset.done $0x0  }
0x1c1: {  	[sflag:s6] =	ssyncadd.s32 $0xFFFFFCC0  }
0x1c2: {  	[tilespmem:s8], [sflag:$0x1] =	stream.indirect.gather [hbm4b:s1+s7], $0x80, s4, s7, $0xb8;
	[tilespmem:$0x1A900] =	vst v63  }
0x1c3: {  	_ = 	snop  }
0x1c4: {  	[tilespmem:s9], [sflag:$0x2] =	stream.indirect.gather [hbm4b:s1+s7], $0x80, s7, s7, $0xb8;
	[tilespmem:$0x1A900] =	vst v63  }
0x1c5: {  	_ = 	snop  }
0x1c6: {  	[tilespmem:s11], [sflag:$0x3] =	stream.indirect.gather [hbm4b:s3+s10], $0x1, s4, s10, $0xb8;
	[tilespmem:$0x1A900] =	vst v63  }
0x1c7: {  	_ =	swait.ge [sflag:s12], $0xD000  }
0x1c8: {  	[sflag:s12] =	ssyncset.done $0x0  }
0x1c9: {  	[sflag:s12] =	ssyncadd.s32 $0xFFFF3000  }
0x1ca: {  	_ =	swait.ge [sflag:s13], $0xD000  }
0x1cb: {  	[sflag:s13] =	ssyncset.done $0x0  }
0x1cc: {  	[sflag:s13] =	ssyncadd.s32 $0xFFFF3000  }
0x1cd: {  	_ =	swait.ge [sflag:s14], $0x340  }
0x1ce: {  	[sflag:s14] =	ssyncset.done $0x0  }
0x1cf: {  	[sflag:s14] =	ssyncadd.s32 $0xFFFFFCC0  }
0x1d0: {  	[tilespmem:s4], [sflag:$0x4] =	stream.linear.gather [hbm4b:s22+s4], $0x340, $0x38;
	[tilespmem:$0x1A900] =	vst v63  }
0x1d1: {  	_ =	swait.ge [sflag:s6], $0x340  }
0x1d2: {  	[sflag:s6] =	ssyncset.done $0x0  }
0x1d3: {  	[sflag:s6] =	ssyncadd.s32 $0xFFFFFCC0  }
0x1d4: {  	[tilespmem:s8], [sflag:$0x1] =	stream.indirect.gather [hbm4b:s1+s7], $0x80, s4, s7, $0xb8;
	[tilespmem:$0x1A900] =	vst v63  }
0x1d5: {  	_ = 	snop  }
0x1d6: {  	[tilespmem:s9], [sflag:$0x2] =	stream.indirect.gather [hbm4b:s1+s7], $0x80, s7, s7, $0xb8;
	[tilespmem:$0x1A900] =	vst v63  }
0x1d7: {  	_ = 	snop  }
0x1d8: {  	[tilespmem:s11], [sflag:$0x3] =	stream.indirect.gather [hbm4b:s3+s10], $0x1, s4, s10, $0xb8;
	[tilespmem:$0x1A900] =	vst v63  }
0x1d9: {  	_ =	swait.ge [sflag:s12], $0xD000  }
0x1da: {  	[sflag:s12] =	ssyncset.done $0x0  }
0x1db: {  	[sflag:s12] =	ssyncadd.s32 $0xFFFF3000  }
0x1dc: {  	_ =	swait.ge [sflag:s13], $0xD000  }
0x1dd: {  	[sflag:s13] =	ssyncset.done $0x0  }
0x1de: {  	[sflag:s13] =	ssyncadd.s32 $0xFFFF3000  }
0x1df: {  	_ =	swait.ge [sflag:s14], $0x340  }
0x1e0: {  	[sflag:s14] =	ssyncset.done $0x0  }
0x1e1: {  	[sflag:s14] =	ssyncadd.s32 $0xFFFFFCC0  }
0x1e2: {  	[tilespmem:s4], [sflag:$0x4] =	stream.linear.gather [hbm4b:s23+s4], $0x340, $0x38;
	[tilespmem:$0x1A900] =	vst v63  }
0x1e3: {  	_ =	swait.ge [sflag:s6], $0x340  }
0x1e4: {  	[sflag:s6] =	ssyncset.done $0x0  }
0x1e5: {  	[sflag:s6] =	ssyncadd.s32 $0xFFFFFCC0  }
0x1e6: {  	[tilespmem:s8], [sflag:$0x1] =	stream.indirect.gather [hbm4b:s1+s7], $0x80, s4, s7, $0xb8;
	[tilespmem:$0x1A900] =	vst v63  }
0x1e7: {  	_ = 	snop  }
0x1e8: {  	[tilespmem:s9], [sflag:$0x2] =	stream.indirect.gather [hbm4b:s1+s7], $0x80, s7, s7, $0xb8;
	[tilespmem:$0x1A900] =	vst v63  }
0x1e9: {  	_ = 	snop  }
0x1ea: {  	[tilespmem:s11], [sflag:$0x3] =	stream.indirect.gather [hbm4b:s3+s10], $0x1, s4, s10, $0xb8;
	[tilespmem:$0x1A900] =	vst v63  }
0x1eb: {  	_ =	swait.ge [sflag:s12], $0xD000  }
0x1ec: {  	[sflag:s12] =	ssyncset.done $0x0  }
0x1ed: {  	[sflag:s12] =	ssyncadd.s32 $0xFFFF3000  }
0x1ee: {  	_ =	swait.ge [sflag:s13], $0xD000  }
0x1ef: {  	[sflag:s13] =	ssyncset.done $0x0  }
0x1f0: {  	[sflag:s13] =	ssyncadd.s32 $0xFFFF3000  }
0x1f1: {  	_ =	swait.ge [sflag:s14], $0x340  }
0x1f2: {  	[sflag:s14] =	ssyncset.done $0x0  }
0x1f3: {  	[sflag:s14] =	ssyncadd.s32 $0xFFFFFCC0  }
0x1f4: {  	[tilespmem:s4], [sflag:$0x4] =	stream.linear.gather [hbm4b:s24+s4], $0x340, $0x38;
	[tilespmem:$0x1A900] =	vst v63  }
0x1f5: {  	_ =	swait.ge [sflag:s6], $0x340  }
0x1f6: {  	[sflag:s6] =	ssyncset.done $0x0  }
0x1f7: {  	[sflag:s6] =	ssyncadd.s32 $0xFFFFFCC0  }
0x1f8: {  	[tilespmem:s8], [sflag:$0x1] =	stream.indirect.gather [hbm4b:s1+s7], $0x80, s4, s7, $0xb8;
	[tilespmem:$0x1A900] =	vst v63  }
0x1f9: {  	_ = 	snop  }
0x1fa: {  	[tilespmem:s9], [sflag:$0x2] =	stream.indirect.gather [hbm4b:s1+s7], $0x80, s7, s7, $0xb8;
	[tilespmem:$0x1A900] =	vst v63  }
0x1fb: {  	_ = 	snop  }
0x1fc: {  	[tilespmem:s11], [sflag:$0x3] =	stream.indirect.gather [hbm4b:s3+s10], $0x1, s4, s10, $0xb8;
	[tilespmem:$0x1A900] =	vst v63  }
0x1fd: {  	_ =	swait.ge [sflag:s12], $0xD000  }
0x1fe: {  	[sflag:s12] =	ssyncset.done $0x0  }
0x1ff: {  	[sflag:s12] =	ssyncadd.s32 $0xFFFF3000  }
0x200: {  	_ =	swait.ge [sflag:s13], $0xD000  }
0x201: {  	[sflag:s13] =	ssyncset.done $0x0  }
0x202: {  	[sflag:s13] =	ssyncadd.s32 $0xFFFF3000  }
0x203: {  	_ =	swait.ge [sflag:s14], $0x340  }
0x204: {  	[sflag:s14] =	ssyncset.done $0x0  }
0x205: {  	[sflag:s14] =	ssyncadd.s32 $0xFFFFFCC0  }
0x206: {  	[tilespmem:s4], [sflag:$0x4] =	stream.linear.gather [hbm4b:s25+s4], $0x340, $0x38;
	[tilespmem:$0x1A900] =	vst v63  }
0x207: {  	_ =	swait.ge [sflag:s6], $0x340  }
0x208: {  	[sflag:s6] =	ssyncset.done $0x0  }
0x209: {  	[sflag:s6] =	ssyncadd.s32 $0xFFFFFCC0  }
0x20a: {  	[tilespmem:s8], [sflag:$0x1] =	stream.indirect.gather [hbm4b:s1+s7], $0x80, s4, s7, $0xb8;
	[tilespmem:$0x1A900] =	vst v63  }
0x20b: {  	_ = 	snop  }
0x20c: {  	[tilespmem:s9], [sflag:$0x2] =	stream.indirect.gather [hbm4b:s1+s7], $0x80, s7, s7, $0xb8;
	[tilespmem:$0x1A900] =	vst v63  }
0x20d: {  	_ = 	snop  }
0x20e: {  	[tilespmem:s11], [sflag:$0x3] =	stream.indirect.gather [hbm4b:s3+s10], $0x1, s4, s10, $0xb8;
	[tilespmem:$0x1A900] =	vst v63  }
0x20f: {  	_ =	swait.ge [sflag:s12], $0xD000  }
0x210: {  	[sflag:s12] =	ssyncset.done $0x0  }
0x211: {  	[sflag:s12] =	ssyncadd.s32 $0xFFFF3000  }
0x212: {  	_ =	swait.ge [sflag:s13], $0xD000  }
0x213: {  	[sflag:s13] =	ssyncset.done $0x0  }
0x214: {  	[sflag:s13] =	ssyncadd.s32 $0xFFFF3000  }
0x215: {  	_ =	swait.ge [sflag:s14], $0x340  }
0x216: {  	[sflag:s14] =	ssyncset.done $0x0  }
0x217: {  	[sflag:s14] =	ssyncadd.s32 $0xFFFFFCC0  }
0x218: {  	[tilespmem:s4], [sflag:$0x4] =	stream.linear.gather [hbm4b:s26+s4], $0x340, $0x38;
	[tilespmem:$0x1A900] =	vst v63  }
0x219: {  	_ =	swait.ge [sflag:s6], $0x340  }
0x21a: {  	[sflag:s6] =	ssyncset.done $0x0  }
0x21b: {  	[sflag:s6] =	ssyncadd.s32 $0xFFFFFCC0  }
0x21c: {  	[tilespmem:s8], [sflag:$0x1] =	stream.indirect.gather [hbm4b:s1+s7], $0x80, s4, s7, $0xb8;
	[tilespmem:$0x1A900] =	vst v63  }
0x21d: {  	_ = 	snop  }
0x21e: {  	[tilespmem:s9], [sflag:$0x2] =	stream.indirect.gather [hbm4b:s1+s7], $0x80, s7, s7, $0xb8;
	[tilespmem:$0x1A900] =	vst v63  }
0x21f: {  	_ = 	snop  }
0x220: {  	[tilespmem:s11], [sflag:$0x3] =	stream.indirect.gather [hbm4b:s3+s10], $0x1, s4, s10, $0xb8;
	[tilespmem:$0x1A900] =	vst v63  }
0x221: {  	_ =	swait.ge [sflag:s12], $0xD000  }
0x222: {  	[sflag:s12] =	ssyncset.done $0x0  }
0x223: {  	[sflag:s12] =	ssyncadd.s32 $0xFFFF3000  }
0x224: {  	_ =	swait.ge [sflag:s13], $0xD000  }
0x225: {  	[sflag:s13] =	ssyncset.done $0x0  }
0x226: {  	[sflag:s13] =	ssyncadd.s32 $0xFFFF3000  }
0x227: {  	_ =	swait.ge [sflag:s14], $0x340  }
0x228: {  	[sflag:s14] =	ssyncset.done $0x0  }
0x229: {  	[sflag:s14] =	ssyncadd.s32 $0xFFFFFCC0  }
0x22a: {  	[tilespmem:s4], [sflag:$0x4] =	stream.linear.gather [hbm4b:s28+s4], $0x340, $0x38;
	[tilespmem:$0x1A900] =	vst v63  }
0x22b: {  	_ =	swait.ge [sflag:s6], $0x340  }
0x22c: {  	[sflag:s6] =	ssyncset.done $0x0  }
0x22d: {  	[sflag:s6] =	ssyncadd.s32 $0xFFFFFCC0  }
0x22e: {  	[tilespmem:s8], [sflag:$0x1] =	stream.indirect.gather [hbm4b:s1+s7], $0x80, s4, s7, $0xb8;
	[tilespmem:$0x1A900] =	vst v63  }
0x22f: {  	_ = 	snop  }
0x230: {  	[tilespmem:s9], [sflag:$0x2] =	stream.indirect.gather [hbm4b:s1+s7], $0x80, s7, s7, $0xb8;
	[tilespmem:$0x1A900] =	vst v63  }
0x231: {  	_ = 	snop  }
0x232: {  	[tilespmem:s11], [sflag:$0x3] =	stream.indirect.gather [hbm4b:s3+s10], $0x1, s4, s10, $0xb8;
	[tilespmem:$0x1A900] =	vst v63  }
0x233: {  	_ =	swait.ge [sflag:s12], $0xD000  }
0x234: {  	[sflag:s12] =	ssyncset.done $0x0  }
0x235: {  	[sflag:s12] =	ssyncadd.s32 $0xFFFF3000  }
0x236: {  	_ =	swait.ge [sflag:s13], $0xD000  }
0x237: {  	[sflag:s13] =	ssyncset.done $0x0  }
0x238: {  	[sflag:s13] =	ssyncadd.s32 $0xFFFF3000  }
0x239: {  	_ =	swait.ge [sflag:s14], $0x340  }
0x23a: {  	[sflag:s14] =	ssyncset.done $0x0  }
0x23b: {  	[sflag:s14] =	ssyncadd.s32 $0xFFFFFCC0  }
0x23c: {  	[tilespmem:s4], [sflag:$0x4] =	stream.linear.gather [hbm4b:s29+s4], $0x340, $0x38;
	[tilespmem:$0x1A900] =	vst v63  }
0x23d: {  	_ =	swait.ge [sflag:s6], $0x340  }
0x23e: {  	[sflag:s6] =	ssyncset.done $0x0  }
0x23f: {  	[sflag:s6] =	ssyncadd.s32 $0xFFFFFCC0  }
0x240: {  	[tilespmem:s8], [sflag:$0x1] =	stream.indirect.gather [hbm4b:s1+s7], $0x80, s4, s7, $0xb8;
	[tilespmem:$0x1A900] =	vst v63  }
0x241: {  	_ = 	snop  }
0x242: {  	[tilespmem:s9], [sflag:$0x2] =	stream.indirect.gather [hbm4b:s1+s7], $0x80, s7, s7, $0xb8;
	[tilespmem:$0x1A900] =	vst v63  }
0x243: {  	_ = 	snop  }
0x244: {  	[tilespmem:s11], [sflag:$0x3] =	stream.indirect.gather [hbm4b:s3+s10], $0x1, s4, s10, $0xb8;
	[tilespmem:$0x1A900] =	vst v63  }
0x245: {  	_ =	swait.ge [sflag:s12], $0xD000  }
0x246: {  	[sflag:s12] =	ssyncset.done $0x0  }
0x247: {  	[sflag:s12] =	ssyncadd.s32 $0xFFFF3000  }
0x248: {  	_ =	swait.ge [sflag:s13], $0xD000  }
0x249: {  	[sflag:s13] =	ssyncset.done $0x0  }
0x24a: {  	[sflag:s13] =	ssyncadd.s32 $0xFFFF3000  }
0x24b: {  	p0 =	sne.s32 s2, $0x1;
	_ =	swait.ge [sflag:s14], $0x340  }
.Ltmp1:
0x24c: {  	[sflag:s14] =	ssyncset.done $0x0;
	(pc) =	sbr.rel @p0 .LBB2_1-.Ltmp1, $4  }
0x24d: {  	[sflag:s14] =	ssyncadd.s32 $0xFFFFFCC0  }
0x24e: {  	[hbm4b:s30+s4] =	stream.linear.scatter [tilespmem:s31], [sflag:$0x4], $0x200, $0x38;
	[tilespmem:$0x1A900] =	vst v63  }
0x24f: {  	_ =	swait.ge [sflag:s6], $0x200  }
0x250: {  	s2 =	sadd.s32 $0xFFFFFFFF, s2;
	[sflag:s6] =	ssyncset.done $0x0  }
.LBB2_2:
0x251: {  	[sflag:s6] =	ssyncadd.s32 $0xFFFFFE00  }
0x252: {  	_ =	sfence.sel $0x180000  }
0x253: {  	[bflag:$0x0] =	sbarrier.arrive $0xFFFF  }
0x254: {  	_ =	strace $0x90000047  }
0x255: {  	s0 =	stileid.u32;
	[bflag:$0x2] =	sbarrier.arrive $0xFFFF  }
0x256: {  	p0 =	sne.s32 s0, $0x0;
	s0 =	rddreg [dreg:$0x4]  }
0x257: {  	s0 =	sadd.s32 @!p0 $0x100000, s0  }
0x258: {  	[sflag:s0] =	ssyncadd.tile.s32 @!p0 $0x1;
	_ =	shalt  }
.Lfunc_end2:
_tile_overlayer_lowered:
.L_overlay_start_2:
0x259: {  	(tag) =	ssettag $0x2  }
0x25a: {  	s0 =	rddreg [dreg:$0x0];
	s2 =	stileid.u32  }
0x25b: {  	s1 =	rddreg [dreg:$0x1];
	p0 =	sne.s32 s2, $0x0  }
0x25c: {  	s3 =	rddreg [dreg:$0x2];
	[bflag:$0x3] =	sbarrier.arrive $0xFFFF;
	s2 =	simm.s32 @!p0 $0x1C04  }
0x25d: {  	[timem:s3], [sflag:s2] =	dma.local @!p0 [hbm:s0], s1  }
0x25e: {  	s0 =	simm.s32 @!p0 $0x4  }
0x25f: {  	_ =	swait.ge @!p0 [sflag:s0], s1  }
0x260: {  	s1 =	ssub.s32 @!p0 $0x0, s1;
	[sflag:s0] =	ssyncset.done @!p0 $0x0  }
0x261: {  	[sflag:s0] =	ssyncadd.s32 @!p0 s1  }
0x262: {  	[bflag:$0x3] =	sbarrier.arrive $0xFFFF  }
0x263: {  	_ =	shalt  }

</sc_bundles>
